<compile_context>
chip_gen: v7x
topology: tpu7x:2x2x1
jax: 0.10.2.dev20260603
libtpu: 0.0.44.dev20260713+nightly
codegen_flags: <defaults>
</compile_context>

<pallas_src>
import functools

import jax
import jax.numpy as jnp
from jax import lax
from jax.experimental import pallas as pl
from jax.experimental.pallas import tpu as pltpu
from jax.experimental.pallas import tpu_sc as plsc

B = 512
UPAD = 144
R = 4096
HR = 4096

_bf16 = jnp.bfloat16
_f32 = jnp.float32


def _iota(n, m, dim):
    return jax.lax.broadcasted_iota(jnp.int32, (n, m), dim)


_NC, _NS = 2, 16
_NW = _NC * _NS


def _sc_hist_body(ut_hbm, s_hbm, zro_hbm, out_hbm, ut_v, s_v, loc_v):
    chunk = ut_v.shape[0]
    c = lax.axis_index("c")
    sid = lax.axis_index("s")
    wid = sid * _NC + c
    base = wid * chunk
    pltpu.sync_copy(ut_hbm.at[pl.ds(base, chunk)], ut_v)
    pltpu.sync_copy(s_hbm.at[pl.ds(base, chunk)], s_v)
    pltpu.sync_copy(zro_hbm, loc_v)
    ones = jnp.ones((16,), _f32)

    def step(i, _):
        su = s_v[pl.ds(i * 16, 16)]
        uu = ut_v[pl.ds(i * 16, 16)]
        idx = su * UPAD + uu
        plsc.addupdate_scatter(loc_v, [idx], ones, mask=su < B)
        return 0

    lax.fori_loop(0, chunk // 16, step, 0)
    pltpu.sync_copy(loc_v, out_hbm.at[pl.ds(wid * B * UPAD, B * UPAD)])


def _hsum_body(p_ref, h_ref):
    pid = pl.program_id(0)
    part = p_ref[...]

    @pl.when(pid == 0)
    def _():
        h_ref[...] = part

    @pl.when(pid != 0)
    def _():
        h_ref[...] += part


def _layer0_body(ut_ref, s_ref, h_ref, emb_ref, wa_ref, ba_ref, wb_ref,
                 bb_ref, out_ref, sums_ref, ztab, etab):
    pid = pl.program_id(0)

    @pl.when(pid == 0)
    def _():
        Hf = h_ref[...]
        cnt = jnp.sum(Hf, axis=1, keepdims=True)
        inv = 1.0 / jnp.maximum(cnt, 1.0)
        sums0 = jnp.dot(Hf.astype(_bf16), emb_ref[...],
                        preferred_element_type=_f32)
        mean0 = sums0 * inv
        z0 = jnp.dot(mean0.astype(_bf16), wa_ref[...],
                     preferred_element_type=_f32) + ba_ref[...]
        ztab[...] = z0.astype(_bf16)
        etab[...] = jnp.dot(emb_ref[...], wa_ref[...],
                            preferred_element_type=_f32).astype(_bf16)

    ut = ut_ref[0, 0, :]
    s = s_ref[0, 0, :]
    oh_u = (ut[:, None] == _iota(1, UPAD, 1)).astype(_bf16)
    oh_s = (s[:, None] == _iota(1, B, 1)).astype(_bf16)
    pre = (jnp.dot(oh_u, etab[...], preferred_element_type=_f32) +
           jnp.dot(oh_s, ztab[...], preferred_element_type=_f32))
    hid = jax.nn.relu(pre).astype(_bf16)
    out = jnp.dot(hid, wb_ref[...], preferred_element_type=_f32) + bb_ref[...]
    out_b = out.astype(_bf16)
    out_ref[...] = out_b

    oh_sT = (_iota(B, 1, 0) == s[None, :]).astype(_bf16)
    part = jnp.dot(oh_sT, hid, preferred_element_type=_f32)

    @pl.when(pid == 0)
    def _():
        sums_ref[...] = part

    @pl.when(pid != 0)
    def _():
        sums_ref[...] += part


def _layer_body(last, first, x_ref, s_ref, h_ref, sumsin_ref, pwb_ref,
                pbb_ref, wa_ref, ba_ref, wb_ref, bb_ref, out_ref, sums_ref,
                ztab):
    pid = pl.program_id(0)

    @pl.when(pid == 0)
    def _():
        cnt = jnp.sum(h_ref[...], axis=1, keepdims=True)
        inv = 1.0 / jnp.maximum(cnt, 1.0)
        if first:
            sums = (jnp.dot(sumsin_ref[...].astype(_bf16), pwb_ref[...],
                            preferred_element_type=_f32)
                    + cnt * pbb_ref[...])
        else:
            sums = sumsin_ref[...]
        mean = sums * inv
        z = jnp.dot(mean.astype(_bf16), wa_ref[...],
                    preferred_element_type=_f32) + ba_ref[...]
        ztab[...] = z.astype(_bf16)

    s = s_ref[0, 0, :]
    oh_s = (s[:, None] == _iota(1, B, 1)).astype(_bf16)
    pre = (jnp.dot(x_ref[...], wa_ref[...], preferred_element_type=_f32) +
           jnp.dot(oh_s, ztab[...], preferred_element_type=_f32))
    hid = jax.nn.relu(pre).astype(_bf16)
    out = jnp.dot(hid, wb_ref[...], preferred_element_type=_f32) + bb_ref[...]
    out_b = out.astype(_bf16)
    out_ref[...] = out if last else out_b

    oh_sT = (_iota(B, 1, 0) == s[None, :]).astype(_bf16)
    part = jnp.dot(oh_sT, out_b, preferred_element_type=_f32)

    @pl.when(pid == 0)
    def _():
        sums_ref[...] = part

    @pl.when(pid != 0)
    def _():
        sums_ref[...] += part


def _const(shape):
    return pl.BlockSpec(shape, lambda i: tuple(0 for _ in shape))


def kernel(unit_type, node2graph, emb, W0a, b0a, W0b, b0b, W1a, b1a,
           W1b, b1b, W2a, b2a, W2b, b2b):
    n = unit_type.shape[0]
    npad = ((n + HR - 1) // HR) * HR
    g_l = npad // R

    ut = jnp.pad(unit_type.astype(jnp.int32), (0, npad - n))
    sg = jnp.pad(node2graph.astype(jnp.int32), (0, npad - n),
                 constant_values=B)
    ut_l = ut.reshape(g_l, 1, R)
    sg_l = sg.reshape(g_l, 1, R)
    emb_p = jnp.pad(emb, ((0, UPAD - emb.shape[0]), (0, 0))).astype(_bf16)

    seq = pltpu.CompilerParams(dimension_semantics=("arbitrary",))
    idx_spec_l = pl.BlockSpec((1, 1, R), lambda i: (i, 0, 0))

    chunk = npad // _NW
    parts = pl.kernel(
        _sc_hist_body,
        out_type=jax.ShapeDtypeStruct((_NW * B * UPAD,), _f32),
        scratch_types=[pltpu.VMEM((chunk,), jnp.int32),
                       pltpu.VMEM((chunk,), jnp.int32),
                       pltpu.VMEM((B * UPAD,), _f32)],
        mesh=plsc.VectorSubcoreMesh(core_axis_name="c", subcore_axis_name="s"),
        compiler_params=pltpu.CompilerParams(needs_layout_passes=False),
    )(ut, sg, jnp.zeros((B * UPAD,), _f32))
    parts = parts.reshape(_NW * B, UPAD)

    H = pl.pallas_call(
        _hsum_body,
        grid=(_NW,),
        in_specs=[pl.BlockSpec((B, UPAD), lambda i: (i, 0))],
        out_specs=_const((B, UPAD)),
        out_shape=jax.ShapeDtypeStruct((B, UPAD), _f32),
        compiler_params=seq,
    )(parts)

    d0, d1 = W0a.shape[0], W0b.shape[1]
    x1, sums1 = pl.pallas_call(
        _layer0_body,
        grid=(g_l,),
        in_specs=[idx_spec_l, idx_spec_l, _const((B, UPAD)),
                  _const((UPAD, d0)), _const((d0, d0)), _const((1, d0)),
                  _const((d0, d1)), _const((1, d1))],
        out_specs=[pl.BlockSpec((R, d1), lambda i: (i, 0)),
                   _const((B, d0))],
        out_shape=[jax.ShapeDtypeStruct((npad, d1), _bf16),
                   jax.ShapeDtypeStruct((B, d0), _f32)],
        scratch_shapes=[pltpu.VMEM((B, d0), _bf16),
                        pltpu.VMEM((UPAD, d0), _bf16)],
        compiler_params=seq,
    )(ut_l, sg_l, H, emb_p, W0a.astype(_bf16), b0a.reshape(1, -1),
      W0b.astype(_bf16), b0b.reshape(1, -1))

    x = x1
    sums = sums1
    for li, (Wa, ba, Wb, bb) in enumerate(
            [(W1a, b1a, W1b, b1b), (W2a, b2a, W2b, b2b)]):
        first = li == 0
        last = li == 1
        din, dout = Wa.shape[0], Wb.shape[1]
        sin_w = d0 if first else din
        x, sums = pl.pallas_call(
            functools.partial(_layer_body, last, first),
            grid=(g_l,),
            in_specs=[pl.BlockSpec((R, din), lambda i: (i, 0)),
                      idx_spec_l, _const((B, UPAD)), _const((B, sin_w)),
                      _const((sin_w, din)), _const((1, din)),
                      _const((din, din)), _const((1, din)),
                      _const((din, dout)), _const((1, dout))],
            out_specs=[pl.BlockSpec((R, dout), lambda i: (i, 0)),
                       _const((B, dout))],
            out_shape=[jax.ShapeDtypeStruct((n if last else npad, dout),
                                            _f32 if last else _bf16),
                       jax.ShapeDtypeStruct((B, dout), _f32)],
            scratch_shapes=[pltpu.VMEM((B, din), _bf16)],
            compiler_params=seq,
        )(x, sg_l, H, sums,
          (W0b if first else Wa).astype(_bf16),
          (b0b if first else ba).reshape(1, -1),
          Wa.astype(_bf16), ba.reshape(1, -1),
          Wb.astype(_bf16), bb.reshape(1, -1))

    return sums, x

# --- scband reference (transcript-rebuilt; emitter-appended) ---
"""Pipeline reference for scband-glycan-gin-88201448391394 (READ-ONLY COPY).

The authoritative reference and input builder live on the scoring server;
editing this copy changes nothing except your own understanding.
"""

import jax, jax.numpy as jnp
import numpy as np

N = 100000
B = 512
NUM_UNIT = 143
DIMS = [128, 256, 256, 256]


def setup_inputs(seed: int = 0) -> dict:
    key = jax.random.key(seed)
    ks = jax.random.split(key, 16)
    inp = {}
    inp['unit_type'] = jax.random.randint(ks[0], (N,), 0, NUM_UNIT)
    inp['node2graph'] = jnp.sort(jax.random.randint(ks[1], (N,), 0, B))
    inp['emb'] = jax.random.normal(ks[2], (NUM_UNIT, DIMS[0]), jnp.float32) * 0.02
    ki = 3
    for i in range(3):
        d_in = DIMS[i]
        d_out = DIMS[i + 1]
        inp['W%da' % i] = jax.random.normal(ks[ki], (d_in, d_in), jnp.float32) * (1.0 / np.sqrt(d_in)); ki += 1
        inp['b%da' % i] = jnp.zeros((d_in,), jnp.float32)
        inp['W%db' % i] = jax.random.normal(ks[ki], (d_in, d_out), jnp.float32) * (1.0 / np.sqrt(d_in)); ki += 1
        inp['b%db' % i] = jnp.zeros((d_out,), jnp.float32)
    return inp


def reference(unit_type, node2graph, emb, W0a, b0a, W0b, b0b, W1a, b1a, W1b, b1b, W2a, b2a, W2b, b2b):
    Ws = [(W0a, b0a, W0b, b0b), (W1a, b1a, W1b, b1b), (W2a, b2a, W2b, b2b)]
    eps = 0.0
    x = emb[unit_type]
    for (Wa, ba, Wb, bb) in Ws:
        sums = jax.ops.segment_sum(x, node2graph, num_segments=B)
        cnt = jax.ops.segment_sum(jnp.ones((x.shape[0], 1), jnp.float32), node2graph, num_segments=B)
        mean = sums / jnp.maximum(cnt, 1.0)
        agg = jnp.take(mean, node2graph, axis=0)
        h = (1.0 + eps) * x + agg
        h = jax.nn.relu(h @ Wa + ba)
        h = h @ Wb + bb
        x = h
    node_feature = x
    graph_feature = jax.ops.segment_sum(node_feature, node2graph, num_segments=B)
    return (graph_feature, node_feature)

if __name__ == "__main__":
    import jax
    _d = setup_inputs()
    print(jax.jit(kernel)(*tuple(_d.values())))

</pallas_src>

<mosaic_0001>
#map = affine_map<(d0, d1) -> (0)>
module attributes {stable_mosaic.version = 14 : i64} {
  func.func @_sc_hist_body(%arg0: i32, %arg1: i32, %arg2: memref<102400xi32, #tpu.memory_space<hbm>>, %arg3: memref<102400xi32, #tpu.memory_space<hbm>>, %arg4: memref<73728xf32, #tpu.memory_space<hbm>>, %arg5: memref<2359296xf32, #tpu.memory_space<hbm>>, %arg6: memref<3200xi32, #tpu.memory_space<vmem>>, %arg7: memref<3200xi32, #tpu.memory_space<vmem>>, %arg8: memref<73728xf32, #tpu.memory_space<vmem>>) attributes {dimension_semantics = [#tpu.dimension_semantics<core_parallel>, #tpu.dimension_semantics<subcore_parallel>], iteration_bounds = array<i64: 2, 16>, scalar_prefetch = 0 : i64, scratch_operands = 3 : i64, tpu.core_type = #tpu.core_type<sc_vector_subcore>, window_params = [{transform_indices = #map}, {transform_indices = #map}, {transform_indices = #map}, {transform_indices = #map}]} {
    %mul3A = arith.constant 2 : i32
    %mul3A_0 = arith.muli %arg1, %mul3A : i32
    %add3A = arith.addi %mul3A_0, %arg0 : i32
    %mul3A_1 = arith.constant 3200 : i32
    %mul3A_2 = arith.muli %add3A, %mul3A_1 : i32
    "tpu.region"() ({
      %run_scoped3A = tpu.sem_alloc : memref<!tpu.dma_semaphore, #tpu.memory_space<semaphore_mem>>
      %dma_start3A = tpu.memref_slice %arg2[%mul3A_2] : memref<102400xi32, #tpu.memory_space<hbm>> -> memref<3200xi32, #tpu.memory_space<hbm>>
      %dma_start3A_14 = tpu.memref_slice %arg2[%mul3A_2] : memref<102400xi32, #tpu.memory_space<hbm>> -> memref<3200xi32, #tpu.memory_space<hbm>>
      tpu.enqueue_dma source(%dma_start3A_14 : memref<3200xi32, #tpu.memory_space<hbm>>) target(%arg6 : memref<3200xi32, #tpu.memory_space<vmem>>) target_semaphore(%run_scoped3A : memref<!tpu.dma_semaphore, #tpu.memory_space<semaphore_mem>>)
      %dma_wait3A = tpu.memref_slice %arg2[%mul3A_2] : memref<102400xi32, #tpu.memory_space<hbm>> -> memref<3200xi32, #tpu.memory_space<hbm>>
      %dma_wait3A_15 = tpu.memref_slice %arg2[%mul3A_2] : memref<102400xi32, #tpu.memory_space<hbm>> -> memref<3200xi32, #tpu.memory_space<hbm>>
      tpu.wait_dma2 semaphore(%run_scoped3A : memref<!tpu.dma_semaphore, #tpu.memory_space<semaphore_mem>>) src(%dma_wait3A_15 : memref<3200xi32, #tpu.memory_space<hbm>>) dst(%arg6 : memref<3200xi32, #tpu.memory_space<vmem>>)
      tpu.yield
    }) : () -> ()
    "tpu.region"() ({
      %run_scoped3A = tpu.sem_alloc : memref<!tpu.dma_semaphore, #tpu.memory_space<semaphore_mem>>
      %dma_start3A = tpu.memref_slice %arg3[%mul3A_2] : memref<102400xi32, #tpu.memory_space<hbm>> -> memref<3200xi32, #tpu.memory_space<hbm>>
      %dma_start3A_14 = tpu.memref_slice %arg3[%mul3A_2] : memref<102400xi32, #tpu.memory_space<hbm>> -> memref<3200xi32, #tpu.memory_space<hbm>>
      tpu.enqueue_dma source(%dma_start3A_14 : memref<3200xi32, #tpu.memory_space<hbm>>) target(%arg7 : memref<3200xi32, #tpu.memory_space<vmem>>) target_semaphore(%run_scoped3A : memref<!tpu.dma_semaphore, #tpu.memory_space<semaphore_mem>>)
      %dma_wait3A = tpu.memref_slice %arg3[%mul3A_2] : memref<102400xi32, #tpu.memory_space<hbm>> -> memref<3200xi32, #tpu.memory_space<hbm>>
      %dma_wait3A_15 = tpu.memref_slice %arg3[%mul3A_2] : memref<102400xi32, #tpu.memory_space<hbm>> -> memref<3200xi32, #tpu.memory_space<hbm>>
      tpu.wait_dma2 semaphore(%run_scoped3A : memref<!tpu.dma_semaphore, #tpu.memory_space<semaphore_mem>>) src(%dma_wait3A_15 : memref<3200xi32, #tpu.memory_space<hbm>>) dst(%arg7 : memref<3200xi32, #tpu.memory_space<vmem>>)
      tpu.yield
    }) : () -> ()
    "tpu.region"() ({
      %run_scoped3A = tpu.sem_alloc : memref<!tpu.dma_semaphore, #tpu.memory_space<semaphore_mem>>
      tpu.enqueue_dma source(%arg4 : memref<73728xf32, #tpu.memory_space<hbm>>) target(%arg8 : memref<73728xf32, #tpu.memory_space<vmem>>) target_semaphore(%run_scoped3A : memref<!tpu.dma_semaphore, #tpu.memory_space<semaphore_mem>>)
      tpu.wait_dma2 semaphore(%run_scoped3A : memref<!tpu.dma_semaphore, #tpu.memory_space<semaphore_mem>>) src(%arg4 : memref<73728xf32, #tpu.memory_space<hbm>>) dst(%arg8 : memref<73728xf32, #tpu.memory_space<vmem>>)
      tpu.yield
    }) : () -> ()
    %broadcast_in_dim3A = arith.constant 1.000000e+00 : f32
    %broadcast_in_dim3A_3 = vector.broadcast %broadcast_in_dim3A : f32 to vector<16xf32>
    %scan3A = arith.constant 0 : i32
    %scan3A_4 = arith.constant 0 : i32
    %scan3A_5 = arith.constant 200 : i32
    %scan3A_6 = arith.addi %scan3A_4, %scan3A_5 : i32
    %scan3A_7 = arith.constant 1 : i32
    %scan3A_8 = scf.for %scan3A_14 = %scan3A_4 to %scan3A_6 step %scan3A_7 iter_args(%scan3A_15 = %scan3A) -> (i32)  : i32 {
      %mul3A_16 = arith.constant 16 : i32
      %mul3A_17 = arith.muli %scan3A_14, %mul3A_16 : i32
      %get3A = arith.index_cast %mul3A_17 : i32 to index
      %get3A_18 = tpu.vector_load %arg7[%get3A] {strides = array<i32>} : memref<3200xi32, #tpu.memory_space<vmem>>, vector<16xi32>,
      %mul3A_19 = arith.constant 16 : i32
      %mul3A_20 = arith.muli %scan3A_14, %mul3A_19 : i32
      %get3A_21 = arith.index_cast %mul3A_20 : i32 to index
      %get3A_22 = tpu.vector_load %arg6[%get3A_21] {strides = array<i32>} : memref<3200xi32, #tpu.memory_space<vmem>>, vector<16xi32>,
      %mul3A_23 = arith.constant 144 : i32
      %mul3A_24 = vector.broadcast %mul3A_23 : i32 to vector<16xi32>
      %mul3A_25 = arith.muli %get3A_18, %mul3A_24 : vector<16xi32>
      %add3A_26 = arith.addi %mul3A_25, %get3A_22 : vector<16xi32>
      %lt3A = arith.constant 512 : i32
      %lt3A_27 = vector.broadcast %lt3A : i32 to vector<16xi32>
      %lt3A_28 = arith.cmpi slt, %get3A_18, %lt3A_27 : vector<16xi32>
      tpu.vector_store_idx %arg8[%add3A_26], %broadcast_in_dim3A_3 masked %lt3A_28 {add = true} : memref<73728xf32, #tpu.memory_space<vmem>>[vector<16xi32>], vector<16xf32>, vector<16xi1>
      %scan3A_29 = arith.constant 0 : i32
      scf.yield %scan3A_29 : i32
    }
    %scan3A_9 = arith.constant 200 : i32
    %mul3A_10 = arith.constant 512 : i32
    %mul3A_11 = arith.muli %add3A, %mul3A_10 : i32
    %mul3A_12 = arith.constant 144 : i32
    %mul3A_13 = arith.muli %mul3A_11, %mul3A_12 : i32
    "tpu.region"() ({
      %run_scoped3A = tpu.sem_alloc : memref<!tpu.dma_semaphore, #tpu.memory_space<semaphore_mem>>
      %dma_start3A = tpu.memref_slice %arg5[%mul3A_13] : memref<2359296xf32, #tpu.memory_space<hbm>> -> memref<73728xf32, #tpu.memory_space<hbm>>
      %dma_start3A_14 = tpu.memref_slice %arg5[%mul3A_13] : memref<2359296xf32, #tpu.memory_space<hbm>> -> memref<73728xf32, #tpu.memory_space<hbm>>
      tpu.enqueue_dma source(%arg8 : memref<73728xf32, #tpu.memory_space<vmem>>) target(%dma_start3A_14 : memref<73728xf32, #tpu.memory_space<hbm>>) target_semaphore(%run_scoped3A : memref<!tpu.dma_semaphore, #tpu.memory_space<semaphore_mem>>)
      %dma_wait3A = tpu.memref_slice %arg5[%mul3A_13] : memref<2359296xf32, #tpu.memory_space<hbm>> -> memref<73728xf32, #tpu.memory_space<hbm>>
      %dma_wait3A_15 = tpu.memref_slice %arg5[%mul3A_13] : memref<2359296xf32, #tpu.memory_space<hbm>> -> memref<73728xf32, #tpu.memory_space<hbm>>
      tpu.wait_dma2 semaphore(%run_scoped3A : memref<!tpu.dma_semaphore, #tpu.memory_space<semaphore_mem>>) src(%arg8 : memref<73728xf32, #tpu.memory_space<vmem>>) dst(%dma_wait3A_15 : memref<73728xf32, #tpu.memory_space<hbm>>)
      tpu.yield
    }) : () -> ()
    return
  }
}

module attributes {stable_mosaic.version = 14 : i64} {
  func.func @_hsum_body(%arg0: i32, %arg1: memref<512x144xf32, #tpu.memory_space<vmem>>, %arg2: memref<512x144xf32, #tpu.memory_space<vmem>>) attributes {dimension_semantics = [#tpu.dimension_semantics<arbitrary>], iteration_bounds = array<i64: 32>, scalar_prefetch = 0 : i64, scratch_operands = 0 : i64, tpu.core_type = #tpu.core_type<tc>, window_params = [{transform_indices = @transform_0, window_bounds = array<i64: 512, 144>}, {pipeline_mode = #tpu.pipeline_mode<synchronous>, transform_indices = @transform_1, window_bounds = array<i64: 512, 144>}]} {
    %get3A = arith.constant 0 : index
    %get3A_0 = arith.constant 0 : index
    %get3A_1 = vector.load %arg1[%get3A, %get3A_0] : memref<512x144xf32, #tpu.memory_space<vmem>>, vector<512x144xf32>
    %eq3A = arith.constant 0 : i32
    %eq3A_2 = arith.cmpi eq, %arg0, %eq3A : i32
    %convert_element_type3A = arith.extui %eq3A_2 : i1 to i32
    %cond3A = arith.constant 0 : i32
    %cond3A_3 = arith.cmpi ne, %convert_element_type3A, %cond3A : i32
    scf.if %cond3A_3 {
      %swap3A = arith.constant 0 : index
      %swap3A_8 = arith.constant 0 : index
      %swap3A_9 = vector.load %arg2[%swap3A, %swap3A_8] : memref<512x144xf32, #tpu.memory_space<vmem>>, vector<512x144xf32>
      tpu.vector_store %arg2[%swap3A, %swap3A_8], %get3A_1 {strides = array<i32>} : memref<512x144xf32, #tpu.memory_space<vmem>>, vector<512x144xf32>,
    } else {
    }
    %ne3A = arith.constant 0 : i32
    %ne3A_4 = arith.cmpi ne, %arg0, %ne3A : i32
    %convert_element_type3A_5 = arith.extui %ne3A_4 : i1 to i32
    %cond3A_6 = arith.constant 0 : i32
    %cond3A_7 = arith.cmpi ne, %convert_element_type3A_5, %cond3A_6 : i32
    scf.if %cond3A_7 {
      %get3A_8 = arith.constant 0 : index
      %get3A_9 = arith.constant 0 : index
      %get3A_10 = vector.load %arg2[%get3A_8, %get3A_9] : memref<512x144xf32, #tpu.memory_space<vmem>>, vector<512x144xf32>
      %add3A = arith.addf %get3A_10, %get3A_1 : vector<512x144xf32>
      %swap3A = arith.constant 0 : index
      %swap3A_11 = arith.constant 0 : index
      %swap3A_12 = vector.load %arg2[%swap3A, %swap3A_11] : memref<512x144xf32, #tpu.memory_space<vmem>>, vector<512x144xf32>
      tpu.vector_store %arg2[%swap3A, %swap3A_11], %add3A {strides = array<i32>} : memref<512x144xf32, #tpu.memory_space<vmem>>, vector<512x144xf32>,
    } else {
    }
    return
  }
  func.func @transform_0(%arg0: i32) -> (i32, i32) {
    %c0_i32 = arith.constant 0 : i32
    %c0_i32_0 = arith.constant 0 : i32
    return %arg0, %c0_i32 : i32, i32
  }
  func.func @transform_1(%arg0: i32) -> (i32, i32) {
    %c0_i32 = arith.constant 0 : i32
    %c0_i32_0 = arith.constant 0 : i32
    %c0_i32_1 = arith.constant 0 : i32
    return %c0_i32, %c0_i32_0 : i32, i32
  }
}

module attributes {stable_mosaic.version = 14 : i64} {
  func.func @_layer0_body(%arg0: i32, %arg1: memref<1x1x4096xi32, #tpu.memory_space<vmem>>, %arg2: memref<1x1x4096xi32, #tpu.memory_space<vmem>>, %arg3: memref<512x144xf32, #tpu.memory_space<vmem>>, %arg4: memref<144x128xbf16, #tpu.memory_space<vmem>>, %arg5: memref<128x128xbf16, #tpu.memory_space<vmem>>, %arg6: memref<1x128xf32, #tpu.memory_space<vmem>>, %arg7: memref<128x256xbf16, #tpu.memory_space<vmem>>, %arg8: memref<1x256xf32, #tpu.memory_space<vmem>>, %arg9: memref<4096x256xbf16, #tpu.memory_space<vmem>>, %arg10: memref<512x128xf32, #tpu.memory_space<vmem>>, %arg11: memref<512x128xbf16, #tpu.memory_space<vmem>>, %arg12: memref<144x128xbf16, #tpu.memory_space<vmem>>) attributes {dimension_semantics = [#tpu.dimension_semantics<arbitrary>], iteration_bounds = array<i64: 25>, scalar_prefetch = 0 : i64, scratch_operands = 2 : i64, tpu.core_type = #tpu.core_type<tc>, window_params = [{transform_indices = @transform_0, window_bounds = array<i64: 1, 1, 4096>}, {transform_indices = @transform_1, window_bounds = array<i64: 1, 1, 4096>}, {pipeline_mode = #tpu.pipeline_mode<synchronous>, transform_indices = @transform_2, window_bounds = array<i64: 512, 144>}, {pipeline_mode = #tpu.pipeline_mode<synchronous>, transform_indices = @transform_3, window_bounds = array<i64: 144, 128>}, {pipeline_mode = #tpu.pipeline_mode<synchronous>, transform_indices = @transform_4, window_bounds = array<i64: 128, 128>}, {pipeline_mode = #tpu.pipeline_mode<synchronous>, transform_indices = @transform_5, window_bounds = array<i64: 1, 128>}, {pipeline_mode = #tpu.pipeline_mode<synchronous>, transform_indices = @transform_6, window_bounds = array<i64: 128, 256>}, {pipeline_mode = #tpu.pipeline_mode<synchronous>, transform_indices = @transform_7, window_bounds = array<i64: 1, 256>}, {transform_indices = @transform_8, window_bounds = array<i64: 4096, 256>}, {pipeline_mode = #tpu.pipeline_mode<synchronous>, transform_indices = @transform_9, window_bounds = array<i64: 512, 128>}]} {
    %eq3A = arith.constant 0 : i32
    %eq3A_0 = arith.cmpi eq, %arg0, %eq3A : i32
    %convert_element_type3A = arith.extui %eq3A_0 : i1 to i32
    %cond3A = arith.constant 0 : i32
    %cond3A_1 = arith.cmpi ne, %convert_element_type3A, %cond3A : i32
    scf.if %cond3A_1 {
      %get3A_69 = arith.constant 0 : index
      %get3A_70 = arith.constant 0 : index
      %get3A_71 = vector.load %arg3[%get3A_69, %get3A_70] : memref<512x144xf32, #tpu.memory_space<vmem>>, vector<512x144xf32>
      %reduce_sum3A = arith.constant dense<0.000000e+00> : vector<512xf32>
      %reduce_sum3A_72 = vector.multi_reduction <add>, %get3A_71, %reduce_sum3A [1] : vector<512x144xf32> to vector<512xf32>
      %broadcast_in_dim3A_73 = vector.shape_cast %reduce_sum3A_72 : vector<512xf32> to vector<512x1xf32>
      %max3A_74 = arith.constant 1.000000e+00 : f32
      %max3A_75 = vector.broadcast %max3A_74 : f32 to vector<512x1xf32>
      %max3A_76 = arith.maximumf %broadcast_in_dim3A_73, %max3A_75 : vector<512x1xf32>
      %div3A = arith.constant 1.000000e+00 : f32
      %div3A_77 = vector.broadcast %div3A : f32 to vector<512x1xf32>
      %div3A_78 = arith.divf %div3A_77, %max3A_76 : vector<512x1xf32>
      %convert_element_type3A_79 = arith.truncf %get3A_71 : vector<512x144xf32> to vector<512x144xbf16>
      %get3A_80 = arith.constant 0 : index
      %get3A_81 = arith.constant 0 : index
      %get3A_82 = vector.load %arg4[%get3A_80, %get3A_81] : memref<144x128xbf16, #tpu.memory_space<vmem>>, vector<144x128xbf16>
      %dot_general3A_83 = arith.constant dense<0.000000e+00> : vector<512x128xf32>
      %dot_general3A_84 = tpu.matmul %convert_element_type3A_79, %get3A_82, %dot_general3A_83 {dimension_numbers = #tpu.dot_dimension_numbers<[1], [0], [0], [1], [0, 0, 1, 1], [], []>, transpose_lhs_hint = false} : vector<512x144xbf16>, vector<144x128xbf16>, vector<512x128xf32> -> vector<512x128xf32>
      %mul3A = vector.broadcast %div3A_78 : vector<512x1xf32> to vector<512x128xf32>
      %mul3A_85 = arith.mulf %dot_general3A_84, %mul3A : vector<512x128xf32>
      %convert_element_type3A_86 = arith.truncf %mul3A_85 : vector<512x128xf32> to vector<512x128xbf16>
      %get3A_87 = arith.constant 0 : index
      %get3A_88 = arith.constant 0 : index
      %get3A_89 = vector.load %arg5[%get3A_87, %get3A_88] : memref<128x128xbf16, #tpu.memory_space<vmem>>, vector<128x128xbf16>
      %dot_general3A_90 = arith.constant dense<0.000000e+00> : vector<512x128xf32>
      %dot_general3A_91 = tpu.matmul %convert_element_type3A_86, %get3A_89, %dot_general3A_90 {dimension_numbers = #tpu.dot_dimension_numbers<[1], [0], [0], [1], [0, 0, 1, 1], [], []>, transpose_lhs_hint = false} : vector<512x128xbf16>, vector<128x128xbf16>, vector<512x128xf32> -> vector<512x128xf32>
      %get3A_92 = arith.constant 0 : index
      %get3A_93 = arith.constant 0 : index
      %get3A_94 = vector.load %arg6[%get3A_92, %get3A_93] : memref<1x128xf32, #tpu.memory_space<vmem>>, vector<1x128xf32>
      %add3A_95 = vector.broadcast %get3A_94 : vector<1x128xf32> to vector<512x128xf32>
      %add3A_96 = arith.addf %dot_general3A_91, %add3A_95 : vector<512x128xf32>
      %convert_element_type3A_97 = arith.truncf %add3A_96 : vector<512x128xf32> to vector<512x128xbf16>
      %swap3A_98 = arith.constant 0 : index
      %swap3A_99 = arith.constant 0 : index
      %swap3A_100 = vector.load %arg11[%swap3A_98, %swap3A_99] : memref<512x128xbf16, #tpu.memory_space<vmem>>, vector<512x128xbf16>
      tpu.vector_store %arg11[%swap3A_98, %swap3A_99], %convert_element_type3A_97 {strides = array<i32>} : memref<512x128xbf16, #tpu.memory_space<vmem>>, vector<512x128xbf16>,
      %get3A_101 = arith.constant 0 : index
      %get3A_102 = arith.constant 0 : index
      %get3A_103 = vector.load %arg4[%get3A_101, %get3A_102] : memref<144x128xbf16, #tpu.memory_space<vmem>>, vector<144x128xbf16>
      %get3A_104 = arith.constant 0 : index
      %get3A_105 = arith.constant 0 : index
      %get3A_106 = vector.load %arg5[%get3A_104, %get3A_105] : memref<128x128xbf16, #tpu.memory_space<vmem>>, vector<128x128xbf16>
      %dot_general3A_107 = arith.constant dense<0.000000e+00> : vector<144x128xf32>
      %dot_general3A_108 = tpu.matmul %get3A_103, %get3A_106, %dot_general3A_107 {dimension_numbers = #tpu.dot_dimension_numbers<[1], [0], [0], [1], [0, 0, 1, 1], [], []>, transpose_lhs_hint = false} : vector<144x128xbf16>, vector<128x128xbf16>, vector<144x128xf32> -> vector<144x128xf32>
      %convert_element_type3A_109 = arith.truncf %dot_general3A_108 : vector<144x128xf32> to vector<144x128xbf16>
      %swap3A_110 = arith.constant 0 : index
      %swap3A_111 = arith.constant 0 : index
      %swap3A_112 = vector.load %arg12[%swap3A_110, %swap3A_111] : memref<144x128xbf16, #tpu.memory_space<vmem>>, vector<144x128xbf16>
      tpu.vector_store %arg12[%swap3A_110, %swap3A_111], %convert_element_type3A_109 {strides = array<i32>} : memref<144x128xbf16, #tpu.memory_space<vmem>>, vector<144x128xbf16>,
    } else {
    }
    %get3A = arith.constant 0 : index
    %get3A_2 = arith.constant 0 : index
    %get3A_3 = arith.constant 0 : index
    %get3A_4 = vector.load %arg1[%get3A, %get3A_2, %get3A_3] : memref<1x1x4096xi32, #tpu.memory_space<vmem>>, vector<1x1x4096xi32>
    %get3A_5 = vector.shape_cast %get3A_4 : vector<1x1x4096xi32> to vector<4096xi32>
    %get3A_6 = arith.constant 0 : index
    %get3A_7 = arith.constant 0 : index
    %get3A_8 = arith.constant 0 : index
    %get3A_9 = vector.load %arg2[%get3A_6, %get3A_7, %get3A_8] : memref<1x1x4096xi32, #tpu.memory_space<vmem>>, vector<1x1x4096xi32>
    %get3A_10 = vector.shape_cast %get3A_9 : vector<1x1x4096xi32> to vector<4096xi32>
    %broadcast_in_dim3A = vector.shape_cast %get3A_5 : vector<4096xi32> to vector<4096x1xi32>
    %iota3A = tpu.iota {dimensions = array<i32: 1>} : vector<1x144xi32>
    %eq3A_11 = vector.broadcast %broadcast_in_dim3A : vector<4096x1xi32> to vector<4096x144xi32>
    %eq3A_12 = vector.broadcast %iota3A : vector<1x144xi32> to vector<4096x144xi32>
    %eq3A_13 = arith.cmpi eq, %eq3A_11, %eq3A_12 : vector<4096x144xi32>
    %convert_element_type3A_14 = arith.extui %eq3A_13 : vector<4096x144xi1> to vector<4096x144xi32>
    %convert_element_type3A_15 = arith.sitofp %convert_element_type3A_14 : vector<4096x144xi32> to vector<4096x144xf32>
    %convert_element_type3A_16 = arith.truncf %convert_element_type3A_15 : vector<4096x144xf32> to vector<4096x144xbf16>
    %broadcast_in_dim3A_17 = vector.shape_cast %get3A_10 : vector<4096xi32> to vector<4096x1xi32>
    %iota3A_18 = tpu.iota {dimensions = array<i32: 1>} : vector<1x512xi32>
    %eq3A_19 = vector.broadcast %broadcast_in_dim3A_17 : vector<4096x1xi32> to vector<4096x512xi32>
    %eq3A_20 = vector.broadcast %iota3A_18 : vector<1x512xi32> to vector<4096x512xi32>
    %eq3A_21 = arith.cmpi eq, %eq3A_19, %eq3A_20 : vector<4096x512xi32>
    %convert_element_type3A_22 = arith.extui %eq3A_21 : vector<4096x512xi1> to vector<4096x512xi32>
    %convert_element_type3A_23 = arith.sitofp %convert_element_type3A_22 : vector<4096x512xi32> to vector<4096x512xf32>
    %convert_element_type3A_24 = arith.truncf %convert_element_type3A_23 : vector<4096x512xf32> to vector<4096x512xbf16>
    %get3A_25 = arith.constant 0 : index
    %get3A_26 = arith.constant 0 : index
    %get3A_27 = vector.load %arg12[%get3A_25, %get3A_26] : memref<144x128xbf16, #tpu.memory_space<vmem>>, vector<144x128xbf16>
    %dot_general3A = arith.constant dense<0.000000e+00> : vector<4096x128xf32>
    %dot_general3A_28 = tpu.matmul %convert_element_type3A_16, %get3A_27, %dot_general3A {dimension_numbers = #tpu.dot_dimension_numbers<[1], [0], [0], [1], [0, 0, 1, 1], [], []>, transpose_lhs_hint = false} : vector<4096x144xbf16>, vector<144x128xbf16>, vector<4096x128xf32> -> vector<4096x128xf32>
    %get3A_29 = arith.constant 0 : index
    %get3A_30 = arith.constant 0 : index
    %get3A_31 = vector.load %arg11[%get3A_29, %get3A_30] : memref<512x128xbf16, #tpu.memory_space<vmem>>, vector<512x128xbf16>
    %dot_general3A_32 = arith.constant dense<0.000000e+00> : vector<4096x128xf32>
    %dot_general3A_33 = tpu.matmul %convert_element_type3A_24, %get3A_31, %dot_general3A_32 {dimension_numbers = #tpu.dot_dimension_numbers<[1], [0], [0], [1], [0, 0, 1, 1], [], []>, transpose_lhs_hint = false} : vector<4096x512xbf16>, vector<512x128xbf16>, vector<4096x128xf32> -> vector<4096x128xf32>
    %add3A = arith.addf %dot_general3A_28, %dot_general3A_33 : vector<4096x128xf32>
    %max3A = arith.constant 0.000000e+00 : f32
    %max3A_34 = vector.broadcast %max3A : f32 to vector<4096x128xf32>
    %max3A_35 = arith.maximumf %add3A, %max3A_34 : vector<4096x128xf32>
    %convert_element_type3A_36 = arith.truncf %max3A_35 : vector<4096x128xf32> to vector<4096x128xbf16>
    %get3A_37 = arith.constant 0 : index
    %get3A_38 = arith.constant 0 : index
    %get3A_39 = vector.load %arg7[%get3A_37, %get3A_38] : memref<128x256xbf16, #tpu.memory_space<vmem>>, vector<128x256xbf16>
    %dot_general3A_40 = arith.constant dense<0.000000e+00> : vector<4096x256xf32>
    %dot_general3A_41 = tpu.matmul %convert_element_type3A_36, %get3A_39, %dot_general3A_40 {dimension_numbers = #tpu.dot_dimension_numbers<[1], [0], [0], [1], [0, 0, 1, 1], [], []>, transpose_lhs_hint = false} : vector<4096x128xbf16>, vector<128x256xbf16>, vector<4096x256xf32> -> vector<4096x256xf32>
    %get3A_42 = arith.constant 0 : index
    %get3A_43 = arith.constant 0 : index
    %get3A_44 = vector.load %arg8[%get3A_42, %get3A_43] : memref<1x256xf32, #tpu.memory_space<vmem>>, vector<1x256xf32>
    %add3A_45 = vector.broadcast %get3A_44 : vector<1x256xf32> to vector<4096x256xf32>
    %add3A_46 = arith.addf %dot_general3A_41, %add3A_45 : vector<4096x256xf32>
    %convert_element_type3A_47 = arith.truncf %add3A_46 : vector<4096x256xf32> to vector<4096x256xbf16>
    %swap3A = arith.constant 0 : index
    %swap3A_48 = arith.constant 0 : index
    %swap3A_49 = vector.load %arg9[%swap3A, %swap3A_48] : memref<4096x256xbf16, #tpu.memory_space<vmem>>, vector<4096x256xbf16>
    tpu.vector_store %arg9[%swap3A, %swap3A_48], %convert_element_type3A_47 {strides = array<i32>} : memref<4096x256xbf16, #tpu.memory_space<vmem>>, vector<4096x256xbf16>,
    %iota3A_50 = tpu.iota {dimensions = array<i32: 0>} : vector<512x1xi32>
    %broadcast_in_dim3A_51 = vector.shape_cast %get3A_10 : vector<4096xi32> to vector<1x4096xi32>
    %eq3A_52 = vector.broadcast %iota3A_50 : vector<512x1xi32> to vector<512x4096xi32>
    %eq3A_53 = vector.broadcast %broadcast_in_dim3A_51 : vector<1x4096xi32> to vector<512x4096xi32>
    %eq3A_54 = arith.cmpi eq, %eq3A_52, %eq3A_53 : vector<512x4096xi32>
    %convert_element_type3A_55 = arith.extui %eq3A_54 : vector<512x4096xi1> to vector<512x4096xi32>
    %convert_element_type3A_56 = arith.sitofp %convert_element_type3A_55 : vector<512x4096xi32> to vector<512x4096xf32>
    %convert_element_type3A_57 = arith.truncf %convert_element_type3A_56 : vector<512x4096xf32> to vector<512x4096xbf16>
    %dot_general3A_58 = arith.constant dense<0.000000e+00> : vector<512x128xf32>
    %dot_general3A_59 = tpu.matmul %convert_element_type3A_57, %convert_element_type3A_36, %dot_general3A_58 {dimension_numbers = #tpu.dot_dimension_numbers<[1], [0], [0], [1], [0, 0, 1, 1], [], []>, transpose_lhs_hint = false} : vector<512x4096xbf16>, vector<4096x128xbf16>, vector<512x128xf32> -> vector<512x128xf32>
    %eq3A_60 = arith.constant 0 : i32
    %eq3A_61 = arith.cmpi eq, %arg0, %eq3A_60 : i32
    %convert_element_type3A_62 = arith.extui %eq3A_61 : i1 to i32
    %cond3A_63 = arith.constant 0 : i32
    %cond3A_64 = arith.cmpi ne, %convert_element_type3A_62, %cond3A_63 : i32
    scf.if %cond3A_64 {
      %swap3A_69 = arith.constant 0 : index
      %swap3A_70 = arith.constant 0 : index
      %swap3A_71 = vector.load %arg10[%swap3A_69, %swap3A_70] : memref<512x128xf32, #tpu.memory_space<vmem>>, vector<512x128xf32>
      tpu.vector_store %arg10[%swap3A_69, %swap3A_70], %dot_general3A_59 {strides = array<i32>} : memref<512x128xf32, #tpu.memory_space<vmem>>, vector<512x128xf32>,
    } else {
    }
    %ne3A = arith.constant 0 : i32
    %ne3A_65 = arith.cmpi ne, %arg0, %ne3A : i32
    %convert_element_type3A_66 = arith.extui %ne3A_65 : i1 to i32
    %cond3A_67 = arith.constant 0 : i32
    %cond3A_68 = arith.cmpi ne, %convert_element_type3A_66, %cond3A_67 : i32
    scf.if %cond3A_68 {
      %get3A_69 = arith.constant 0 : index
      %get3A_70 = arith.constant 0 : index
      %get3A_71 = vector.load %arg10[%get3A_69, %get3A_70] : memref<512x128xf32, #tpu.memory_space<vmem>>, vector<512x128xf32>
      %add3A_72 = arith.addf %get3A_71, %dot_general3A_59 : vector<512x128xf32>
      %swap3A_73 = arith.constant 0 : index
      %swap3A_74 = arith.constant 0 : index
      %swap3A_75 = vector.load %arg10[%swap3A_73, %swap3A_74] : memref<512x128xf32, #tpu.memory_space<vmem>>, vector<512x128xf32>
      tpu.vector_store %arg10[%swap3A_73, %swap3A_74], %add3A_72 {strides = array<i32>} : memref<512x128xf32, #tpu.memory_space<vmem>>, vector<512x128xf32>,
    } else {
    }
    return
  }
  func.func @transform_0(%arg0: i32) -> (i32, i32, i32) {
    %c0_i32 = arith.constant 0 : i32
    %c0_i32_0 = arith.constant 0 : i32
    %c0_i32_1 = arith.constant 0 : i32
    return %arg0, %c0_i32, %c0_i32_0 : i32, i32, i32
  }
  func.func @transform_1(%arg0: i32) -> (i32, i32, i32) {
    %c0_i32 = arith.constant 0 : i32
    %c0_i32_0 = arith.constant 0 : i32
    %c0_i32_1 = arith.constant 0 : i32
    return %arg0, %c0_i32, %c0_i32_0 : i32, i32, i32
  }
  func.func @transform_2(%arg0: i32) -> (i32, i32) {
    %c0_i32 = arith.constant 0 : i32
    %c0_i32_0 = arith.constant 0 : i32
    %c0_i32_1 = arith.constant 0 : i32
    return %c0_i32, %c0_i32_0 : i32, i32
  }
  func.func @transform_3(%arg0: i32) -> (i32, i32) {
    %c0_i32 = arith.constant 0 : i32
    %c0_i32_0 = arith.constant 0 : i32
    %c0_i32_1 = arith.constant 0 : i32
    return %c0_i32, %c0_i32_0 : i32, i32
  }
  func.func @transform_4(%arg0: i32) -> (i32, i32) {
    %c0_i32 = arith.constant 0 : i32
    %c0_i32_0 = arith.constant 0 : i32
    %c0_i32_1 = arith.constant 0 : i32
    return %c0_i32, %c0_i32_0 : i32, i32
  }
  func.func @transform_5(%arg0: i32) -> (i32, i32) {
    %c0_i32 = arith.constant 0 : i32
    %c0_i32_0 = arith.constant 0 : i32
    %c0_i32_1 = arith.constant 0 : i32
    return %c0_i32, %c0_i32_0 : i32, i32
  }
  func.func @transform_6(%arg0: i32) -> (i32, i32) {
    %c0_i32 = arith.constant 0 : i32
    %c0_i32_0 = arith.constant 0 : i32
    %c0_i32_1 = arith.constant 0 : i32
    return %c0_i32, %c0_i32_0 : i32, i32
  }
  func.func @transform_7(%arg0: i32) -> (i32, i32) {
    %c0_i32 = arith.constant 0 : i32
    %c0_i32_0 = arith.constant 0 : i32
    %c0_i32_1 = arith.constant 0 : i32
    return %c0_i32, %c0_i32_0 : i32, i32
  }
  func.func @transform_8(%arg0: i32) -> (i32, i32) {
    %c0_i32 = arith.constant 0 : i32
    %c0_i32_0 = arith.constant 0 : i32
    return %arg0, %c0_i32 : i32, i32
  }
  func.func @transform_9(%arg0: i32) -> (i32, i32) {
    %c0_i32 = arith.constant 0 : i32
    %c0_i32_0 = arith.constant 0 : i32
    %c0_i32_1 = arith.constant 0 : i32
    return %c0_i32, %c0_i32_0 : i32, i32
  }
}

module attributes {stable_mosaic.version = 14 : i64} {
  func.func @_layer_body(%arg0: i32, %arg1: memref<4096x256xbf16, #tpu.memory_space<vmem>>, %arg2: memref<1x1x4096xi32, #tpu.memory_space<vmem>>, %arg3: memref<512x144xf32, #tpu.memory_space<vmem>>, %arg4: memref<512x128xf32, #tpu.memory_space<vmem>>, %arg5: memref<128x256xbf16, #tpu.memory_space<vmem>>, %arg6: memref<1x256xf32, #tpu.memory_space<vmem>>, %arg7: memref<256x256xbf16, #tpu.memory_space<vmem>>, %arg8: memref<1x256xf32, #tpu.memory_space<vmem>>, %arg9: memref<256x256xbf16, #tpu.memory_space<vmem>>, %arg10: memref<1x256xf32, #tpu.memory_space<vmem>>, %arg11: memref<4096x256xbf16, #tpu.memory_space<vmem>>, %arg12: memref<512x256xf32, #tpu.memory_space<vmem>>, %arg13: memref<512x256xbf16, #tpu.memory_space<vmem>>) attributes {dimension_semantics = [#tpu.dimension_semantics<arbitrary>], iteration_bounds = array<i64: 25>, scalar_prefetch = 0 : i64, scratch_operands = 1 : i64, tpu.core_type = #tpu.core_type<tc>, window_params = [{transform_indices = @transform_0, window_bounds = array<i64: 4096, 256>}, {transform_indices = @transform_1, window_bounds = array<i64: 1, 1, 4096>}, {pipeline_mode = #tpu.pipeline_mode<synchronous>, transform_indices = @transform_2, window_bounds = array<i64: 512, 144>}, {pipeline_mode = #tpu.pipeline_mode<synchronous>, transform_indices = @transform_3, window_bounds = array<i64: 512, 128>}, {pipeline_mode = #tpu.pipeline_mode<synchronous>, transform_indices = @transform_4, window_bounds = array<i64: 128, 256>}, {pipeline_mode = #tpu.pipeline_mode<synchronous>, transform_indices = @transform_5, window_bounds = array<i64: 1, 256>}, {pipeline_mode = #tpu.pipeline_mode<synchronous>, transform_indices = @transform_6, window_bounds = array<i64: 256, 256>}, {pipeline_mode = #tpu.pipeline_mode<synchronous>, transform_indices = @transform_7, window_bounds = array<i64: 1, 256>}, {pipeline_mode = #tpu.pipeline_mode<synchronous>, transform_indices = @transform_8, window_bounds = array<i64: 256, 256>}, {pipeline_mode = #tpu.pipeline_mode<synchronous>, transform_indices = @transform_9, window_bounds = array<i64: 1, 256>}, {transform_indices = @transform_10, window_bounds = array<i64: 4096, 256>}, {pipeline_mode = #tpu.pipeline_mode<synchronous>, transform_indices = @transform_11, window_bounds = array<i64: 512, 256>}]} {
    %eq3A = arith.constant 0 : i32
    %eq3A_0 = arith.cmpi eq, %arg0, %eq3A : i32
    %convert_element_type3A = arith.extui %eq3A_0 : i1 to i32
    %cond3A = arith.constant 0 : i32
    %cond3A_1 = arith.cmpi ne, %convert_element_type3A, %cond3A : i32
    scf.if %cond3A_1 {
      %get3A_59 = arith.constant 0 : index
      %get3A_60 = arith.constant 0 : index
      %get3A_61 = vector.load %arg3[%get3A_59, %get3A_60] : memref<512x144xf32, #tpu.memory_space<vmem>>, vector<512x144xf32>
      %reduce_sum3A = arith.constant dense<0.000000e+00> : vector<512xf32>
      %reduce_sum3A_62 = vector.multi_reduction <add>, %get3A_61, %reduce_sum3A [1] : vector<512x144xf32> to vector<512xf32>
      %broadcast_in_dim3A_63 = vector.shape_cast %reduce_sum3A_62 : vector<512xf32> to vector<512x1xf32>
      %max3A_64 = arith.constant 1.000000e+00 : f32
      %max3A_65 = vector.broadcast %max3A_64 : f32 to vector<512x1xf32>
      %max3A_66 = arith.maximumf %broadcast_in_dim3A_63, %max3A_65 : vector<512x1xf32>
      %div3A = arith.constant 1.000000e+00 : f32
      %div3A_67 = vector.broadcast %div3A : f32 to vector<512x1xf32>
      %div3A_68 = arith.divf %div3A_67, %max3A_66 : vector<512x1xf32>
      %get3A_69 = arith.constant 0 : index
      %get3A_70 = arith.constant 0 : index
      %get3A_71 = vector.load %arg4[%get3A_69, %get3A_70] : memref<512x128xf32, #tpu.memory_space<vmem>>, vector<512x128xf32>
      %convert_element_type3A_72 = arith.truncf %get3A_71 : vector<512x128xf32> to vector<512x128xbf16>
      %get3A_73 = arith.constant 0 : index
      %get3A_74 = arith.constant 0 : index
      %get3A_75 = vector.load %arg5[%get3A_73, %get3A_74] : memref<128x256xbf16, #tpu.memory_space<vmem>>, vector<128x256xbf16>
      %dot_general3A_76 = arith.constant dense<0.000000e+00> : vector<512x256xf32>
      %dot_general3A_77 = tpu.matmul %convert_element_type3A_72, %get3A_75, %dot_general3A_76 {dimension_numbers = #tpu.dot_dimension_numbers<[1], [0], [0], [1], [0, 0, 1, 1], [], []>, transpose_lhs_hint = false} : vector<512x128xbf16>, vector<128x256xbf16>, vector<512x256xf32> -> vector<512x256xf32>
      %get3A_78 = arith.constant 0 : index
      %get3A_79 = arith.constant 0 : index
      %get3A_80 = vector.load %arg6[%get3A_78, %get3A_79] : memref<1x256xf32, #tpu.memory_space<vmem>>, vector<1x256xf32>
      %mul3A = vector.broadcast %broadcast_in_dim3A_63 : vector<512x1xf32> to vector<512x256xf32>
      %mul3A_81 = vector.broadcast %get3A_80 : vector<1x256xf32> to vector<512x256xf32>
      %mul3A_82 = arith.mulf %mul3A, %mul3A_81 : vector<512x256xf32>
      %add3A_83 = arith.addf %dot_general3A_77, %mul3A_82 : vector<512x256xf32>
      %mul3A_84 = vector.broadcast %div3A_68 : vector<512x1xf32> to vector<512x256xf32>
      %mul3A_85 = arith.mulf %add3A_83, %mul3A_84 : vector<512x256xf32>
      %convert_element_type3A_86 = arith.truncf %mul3A_85 : vector<512x256xf32> to vector<512x256xbf16>
      %get3A_87 = arith.constant 0 : index
      %get3A_88 = arith.constant 0 : index
      %get3A_89 = vector.load %arg7[%get3A_87, %get3A_88] : memref<256x256xbf16, #tpu.memory_space<vmem>>, vector<256x256xbf16>
      %dot_general3A_90 = arith.constant dense<0.000000e+00> : vector<512x256xf32>
      %dot_general3A_91 = tpu.matmul %convert_element_type3A_86, %get3A_89, %dot_general3A_90 {dimension_numbers = #tpu.dot_dimension_numbers<[1], [0], [0], [1], [0, 0, 1, 1], [], []>, transpose_lhs_hint = false} : vector<512x256xbf16>, vector<256x256xbf16>, vector<512x256xf32> -> vector<512x256xf32>
      %get3A_92 = arith.constant 0 : index
      %get3A_93 = arith.constant 0 : index
      %get3A_94 = vector.load %arg8[%get3A_92, %get3A_93] : memref<1x256xf32, #tpu.memory_space<vmem>>, vector<1x256xf32>
      %add3A_95 = vector.broadcast %get3A_94 : vector<1x256xf32> to vector<512x256xf32>
      %add3A_96 = arith.addf %dot_general3A_91, %add3A_95 : vector<512x256xf32>
      %convert_element_type3A_97 = arith.truncf %add3A_96 : vector<512x256xf32> to vector<512x256xbf16>
      %swap3A_98 = arith.constant 0 : index
      %swap3A_99 = arith.constant 0 : index
      %swap3A_100 = vector.load %arg13[%swap3A_98, %swap3A_99] : memref<512x256xbf16, #tpu.memory_space<vmem>>, vector<512x256xbf16>
      tpu.vector_store %arg13[%swap3A_98, %swap3A_99], %convert_element_type3A_97 {strides = array<i32>} : memref<512x256xbf16, #tpu.memory_space<vmem>>, vector<512x256xbf16>,
    } else {
    }
    %get3A = arith.constant 0 : index
    %get3A_2 = arith.constant 0 : index
    %get3A_3 = arith.constant 0 : index
    %get3A_4 = vector.load %arg2[%get3A, %get3A_2, %get3A_3] : memref<1x1x4096xi32, #tpu.memory_space<vmem>>, vector<1x1x4096xi32>
    %get3A_5 = vector.shape_cast %get3A_4 : vector<1x1x4096xi32> to vector<4096xi32>
    %broadcast_in_dim3A = vector.shape_cast %get3A_5 : vector<4096xi32> to vector<4096x1xi32>
    %iota3A = tpu.iota {dimensions = array<i32: 1>} : vector<1x512xi32>
    %eq3A_6 = vector.broadcast %broadcast_in_dim3A : vector<4096x1xi32> to vector<4096x512xi32>
    %eq3A_7 = vector.broadcast %iota3A : vector<1x512xi32> to vector<4096x512xi32>
    %eq3A_8 = arith.cmpi eq, %eq3A_6, %eq3A_7 : vector<4096x512xi32>
    %convert_element_type3A_9 = arith.extui %eq3A_8 : vector<4096x512xi1> to vector<4096x512xi32>
    %convert_element_type3A_10 = arith.sitofp %convert_element_type3A_9 : vector<4096x512xi32> to vector<4096x512xf32>
    %convert_element_type3A_11 = arith.truncf %convert_element_type3A_10 : vector<4096x512xf32> to vector<4096x512xbf16>
    %get3A_12 = arith.constant 0 : index
    %get3A_13 = arith.constant 0 : index
    %get3A_14 = vector.load %arg1[%get3A_12, %get3A_13] : memref<4096x256xbf16, #tpu.memory_space<vmem>>, vector<4096x256xbf16>
    %get3A_15 = arith.constant 0 : index
    %get3A_16 = arith.constant 0 : index
    %get3A_17 = vector.load %arg7[%get3A_15, %get3A_16] : memref<256x256xbf16, #tpu.memory_space<vmem>>, vector<256x256xbf16>
    %dot_general3A = arith.constant dense<0.000000e+00> : vector<4096x256xf32>
    %dot_general3A_18 = tpu.matmul %get3A_14, %get3A_17, %dot_general3A {dimension_numbers = #tpu.dot_dimension_numbers<[1], [0], [0], [1], [0, 0, 1, 1], [], []>, transpose_lhs_hint = false} : vector<4096x256xbf16>, vector<256x256xbf16>, vector<4096x256xf32> -> vector<4096x256xf32>
    %get3A_19 = arith.constant 0 : index
    %get3A_20 = arith.constant 0 : index
    %get3A_21 = vector.load %arg13[%get3A_19, %get3A_20] : memref<512x256xbf16, #tpu.memory_space<vmem>>, vector<512x256xbf16>
    %dot_general3A_22 = arith.constant dense<0.000000e+00> : vector<4096x256xf32>
    %dot_general3A_23 = tpu.matmul %convert_element_type3A_11, %get3A_21, %dot_general3A_22 {dimension_numbers = #tpu.dot_dimension_numbers<[1], [0], [0], [1], [0, 0, 1, 1], [], []>, transpose_lhs_hint = false} : vector<4096x512xbf16>, vector<512x256xbf16>, vector<4096x256xf32> -> vector<4096x256xf32>
    %add3A = arith.addf %dot_general3A_18, %dot_general3A_23 : vector<4096x256xf32>
    %max3A = arith.constant 0.000000e+00 : f32
    %max3A_24 = vector.broadcast %max3A : f32 to vector<4096x256xf32>
    %max3A_25 = arith.maximumf %add3A, %max3A_24 : vector<4096x256xf32>
    %convert_element_type3A_26 = arith.truncf %max3A_25 : vector<4096x256xf32> to vector<4096x256xbf16>
    %get3A_27 = arith.constant 0 : index
    %get3A_28 = arith.constant 0 : index
    %get3A_29 = vector.load %arg9[%get3A_27, %get3A_28] : memref<256x256xbf16, #tpu.memory_space<vmem>>, vector<256x256xbf16>
    %dot_general3A_30 = arith.constant dense<0.000000e+00> : vector<4096x256xf32>
    %dot_general3A_31 = tpu.matmul %convert_element_type3A_26, %get3A_29, %dot_general3A_30 {dimension_numbers = #tpu.dot_dimension_numbers<[1], [0], [0], [1], [0, 0, 1, 1], [], []>, transpose_lhs_hint = false} : vector<4096x256xbf16>, vector<256x256xbf16>, vector<4096x256xf32> -> vector<4096x256xf32>
    %get3A_32 = arith.constant 0 : index
    %get3A_33 = arith.constant 0 : index
    %get3A_34 = vector.load %arg10[%get3A_32, %get3A_33] : memref<1x256xf32, #tpu.memory_space<vmem>>, vector<1x256xf32>
    %add3A_35 = vector.broadcast %get3A_34 : vector<1x256xf32> to vector<4096x256xf32>
    %add3A_36 = arith.addf %dot_general3A_31, %add3A_35 : vector<4096x256xf32>
    %convert_element_type3A_37 = arith.truncf %add3A_36 : vector<4096x256xf32> to vector<4096x256xbf16>
    %swap3A = arith.constant 0 : index
    %swap3A_38 = arith.constant 0 : index
    %swap3A_39 = vector.load %arg11[%swap3A, %swap3A_38] : memref<4096x256xbf16, #tpu.memory_space<vmem>>, vector<4096x256xbf16>
    tpu.vector_store %arg11[%swap3A, %swap3A_38], %convert_element_type3A_37 {strides = array<i32>} : memref<4096x256xbf16, #tpu.memory_space<vmem>>, vector<4096x256xbf16>,
    %iota3A_40 = tpu.iota {dimensions = array<i32: 0>} : vector<512x1xi32>
    %broadcast_in_dim3A_41 = vector.shape_cast %get3A_5 : vector<4096xi32> to vector<1x4096xi32>
    %eq3A_42 = vector.broadcast %iota3A_40 : vector<512x1xi32> to vector<512x4096xi32>
    %eq3A_43 = vector.broadcast %broadcast_in_dim3A_41 : vector<1x4096xi32> to vector<512x4096xi32>
    %eq3A_44 = arith.cmpi eq, %eq3A_42, %eq3A_43 : vector<512x4096xi32>
    %convert_element_type3A_45 = arith.extui %eq3A_44 : vector<512x4096xi1> to vector<512x4096xi32>
    %convert_element_type3A_46 = arith.sitofp %convert_element_type3A_45 : vector<512x4096xi32> to vector<512x4096xf32>
    %convert_element_type3A_47 = arith.truncf %convert_element_type3A_46 : vector<512x4096xf32> to vector<512x4096xbf16>
    %dot_general3A_48 = arith.constant dense<0.000000e+00> : vector<512x256xf32>
    %dot_general3A_49 = tpu.matmul %convert_element_type3A_47, %convert_element_type3A_37, %dot_general3A_48 {dimension_numbers = #tpu.dot_dimension_numbers<[1], [0], [0], [1], [0, 0, 1, 1], [], []>, transpose_lhs_hint = false} : vector<512x4096xbf16>, vector<4096x256xbf16>, vector<512x256xf32> -> vector<512x256xf32>
    %eq3A_50 = arith.constant 0 : i32
    %eq3A_51 = arith.cmpi eq, %arg0, %eq3A_50 : i32
    %convert_element_type3A_52 = arith.extui %eq3A_51 : i1 to i32
    %cond3A_53 = arith.constant 0 : i32
    %cond3A_54 = arith.cmpi ne, %convert_element_type3A_52, %cond3A_53 : i32
    scf.if %cond3A_54 {
      %swap3A_59 = arith.constant 0 : index
      %swap3A_60 = arith.constant 0 : index
      %swap3A_61 = vector.load %arg12[%swap3A_59, %swap3A_60] : memref<512x256xf32, #tpu.memory_space<vmem>>, vector<512x256xf32>
      tpu.vector_store %arg12[%swap3A_59, %swap3A_60], %dot_general3A_49 {strides = array<i32>} : memref<512x256xf32, #tpu.memory_space<vmem>>, vector<512x256xf32>,
    } else {
    }
    %ne3A = arith.constant 0 : i32
    %ne3A_55 = arith.cmpi ne, %arg0, %ne3A : i32
    %convert_element_type3A_56 = arith.extui %ne3A_55 : i1 to i32
    %cond3A_57 = arith.constant 0 : i32
    %cond3A_58 = arith.cmpi ne, %convert_element_type3A_56, %cond3A_57 : i32
    scf.if %cond3A_58 {
      %get3A_59 = arith.constant 0 : index
      %get3A_60 = arith.constant 0 : index
      %get3A_61 = vector.load %arg12[%get3A_59, %get3A_60] : memref<512x256xf32, #tpu.memory_space<vmem>>, vector<512x256xf32>
      %add3A_62 = arith.addf %get3A_61, %dot_general3A_49 : vector<512x256xf32>
      %swap3A_63 = arith.constant 0 : index
      %swap3A_64 = arith.constant 0 : index
      %swap3A_65 = vector.load %arg12[%swap3A_63, %swap3A_64] : memref<512x256xf32, #tpu.memory_space<vmem>>, vector<512x256xf32>
      tpu.vector_store %arg12[%swap3A_63, %swap3A_64], %add3A_62 {strides = array<i32>} : memref<512x256xf32, #tpu.memory_space<vmem>>, vector<512x256xf32>,
    } else {
    }
    return
  }
  func.func @transform_0(%arg0: i32) -> (i32, i32) {
    %c0_i32 = arith.constant 0 : i32
    %c0_i32_0 = arith.constant 0 : i32
    return %arg0, %c0_i32 : i32, i32
  }
  func.func @transform_1(%arg0: i32) -> (i32, i32, i32) {
    %c0_i32 = arith.constant 0 : i32
    %c0_i32_0 = arith.constant 0 : i32
    %c0_i32_1 = arith.constant 0 : i32
    return %arg0, %c0_i32, %c0_i32_0 : i32, i32, i32
  }
  func.func @transform_2(%arg0: i32) -> (i32, i32) {
    %c0_i32 = arith.constant 0 : i32
    %c0_i32_0 = arith.constant 0 : i32
    %c0_i32_1 = arith.constant 0 : i32
    return %c0_i32, %c0_i32_0 : i32, i32
  }
  func.func @transform_3(%arg0: i32) -> (i32, i32) {
    %c0_i32 = arith.constant 0 : i32
    %c0_i32_0 = arith.constant 0 : i32
    %c0_i32_1 = arith.constant 0 : i32
    return %c0_i32, %c0_i32_0 : i32, i32
  }
  func.func @transform_4(%arg0: i32) -> (i32, i32) {
    %c0_i32 = arith.constant 0 : i32
    %c0_i32_0 = arith.constant 0 : i32
    %c0_i32_1 = arith.constant 0 : i32
    return %c0_i32, %c0_i32_0 : i32, i32
  }
  func.func @transform_5(%arg0: i32) -> (i32, i32) {
    %c0_i32 = arith.constant 0 : i32
    %c0_i32_0 = arith.constant 0 : i32
    %c0_i32_1 = arith.constant 0 : i32
    return %c0_i32, %c0_i32_0 : i32, i32
  }
  func.func @transform_6(%arg0: i32) -> (i32, i32) {
    %c0_i32 = arith.constant 0 : i32
    %c0_i32_0 = arith.constant 0 : i32
    %c0_i32_1 = arith.constant 0 : i32
    return %c0_i32, %c0_i32_0 : i32, i32
  }
  func.func @transform_7(%arg0: i32) -> (i32, i32) {
    %c0_i32 = arith.constant 0 : i32
    %c0_i32_0 = arith.constant 0 : i32
    %c0_i32_1 = arith.constant 0 : i32
    return %c0_i32, %c0_i32_0 : i32, i32
  }
  func.func @transform_8(%arg0: i32) -> (i32, i32) {
    %c0_i32 = arith.constant 0 : i32
    %c0_i32_0 = arith.constant 0 : i32
    %c0_i32_1 = arith.constant 0 : i32
    return %c0_i32, %c0_i32_0 : i32, i32
  }
  func.func @transform_9(%arg0: i32) -> (i32, i32) {
    %c0_i32 = arith.constant 0 : i32
    %c0_i32_0 = arith.constant 0 : i32
    %c0_i32_1 = arith.constant 0 : i32
    return %c0_i32, %c0_i32_0 : i32, i32
  }
  func.func @transform_10(%arg0: i32) -> (i32, i32) {
    %c0_i32 = arith.constant 0 : i32
    %c0_i32_0 = arith.constant 0 : i32
    return %arg0, %c0_i32 : i32, i32
  }
  func.func @transform_11(%arg0: i32) -> (i32, i32) {
    %c0_i32 = arith.constant 0 : i32
    %c0_i32_0 = arith.constant 0 : i32
    %c0_i32_1 = arith.constant 0 : i32
    return %c0_i32, %c0_i32_0 : i32, i32
  }
}

module attributes {stable_mosaic.version = 14 : i64} {
  func.func @_layer_body(%arg0: i32, %arg1: memref<4096x256xbf16, #tpu.memory_space<vmem>>, %arg2: memref<1x1x4096xi32, #tpu.memory_space<vmem>>, %arg3: memref<512x144xf32, #tpu.memory_space<vmem>>, %arg4: memref<512x256xf32, #tpu.memory_space<vmem>>, %arg5: memref<256x256xbf16, #tpu.memory_space<vmem>>, %arg6: memref<1x256xf32, #tpu.memory_space<vmem>>, %arg7: memref<256x256xbf16, #tpu.memory_space<vmem>>, %arg8: memref<1x256xf32, #tpu.memory_space<vmem>>, %arg9: memref<256x256xbf16, #tpu.memory_space<vmem>>, %arg10: memref<1x256xf32, #tpu.memory_space<vmem>>, %arg11: memref<4096x256xf32, #tpu.memory_space<vmem>>, %arg12: memref<512x256xf32, #tpu.memory_space<vmem>>, %arg13: memref<512x256xbf16, #tpu.memory_space<vmem>>) attributes {dimension_semantics = [#tpu.dimension_semantics<arbitrary>], iteration_bounds = array<i64: 25>, scalar_prefetch = 0 : i64, scratch_operands = 1 : i64, tpu.core_type = #tpu.core_type<tc>, window_params = [{transform_indices = @transform_0, window_bounds = array<i64: 4096, 256>}, {transform_indices = @transform_1, window_bounds = array<i64: 1, 1, 4096>}, {pipeline_mode = #tpu.pipeline_mode<synchronous>, transform_indices = @transform_2, window_bounds = array<i64: 512, 144>}, {pipeline_mode = #tpu.pipeline_mode<synchronous>, transform_indices = @transform_3, window_bounds = array<i64: 512, 256>}, {pipeline_mode = #tpu.pipeline_mode<synchronous>, transform_indices = @transform_4, window_bounds = array<i64: 256, 256>}, {pipeline_mode = #tpu.pipeline_mode<synchronous>, transform_indices = @transform_5, window_bounds = array<i64: 1, 256>}, {pipeline_mode = #tpu.pipeline_mode<synchronous>, transform_indices = @transform_6, window_bounds = array<i64: 256, 256>}, {pipeline_mode = #tpu.pipeline_mode<synchronous>, transform_indices = @transform_7, window_bounds = array<i64: 1, 256>}, {pipeline_mode = #tpu.pipeline_mode<synchronous>, transform_indices = @transform_8, window_bounds = array<i64: 256, 256>}, {pipeline_mode = #tpu.pipeline_mode<synchronous>, transform_indices = @transform_9, window_bounds = array<i64: 1, 256>}, {transform_indices = @transform_10, window_bounds = array<i64: 4096, 256>}, {pipeline_mode = #tpu.pipeline_mode<synchronous>, transform_indices = @transform_11, window_bounds = array<i64: 512, 256>}]} {
    %eq3A = arith.constant 0 : i32
    %eq3A_0 = arith.cmpi eq, %arg0, %eq3A : i32
    %convert_element_type3A = arith.extui %eq3A_0 : i1 to i32
    %cond3A = arith.constant 0 : i32
    %cond3A_1 = arith.cmpi ne, %convert_element_type3A, %cond3A : i32
    scf.if %cond3A_1 {
      %get3A_59 = arith.constant 0 : index
      %get3A_60 = arith.constant 0 : index
      %get3A_61 = vector.load %arg3[%get3A_59, %get3A_60] : memref<512x144xf32, #tpu.memory_space<vmem>>, vector<512x144xf32>
      %reduce_sum3A = arith.constant dense<0.000000e+00> : vector<512xf32>
      %reduce_sum3A_62 = vector.multi_reduction <add>, %get3A_61, %reduce_sum3A [1] : vector<512x144xf32> to vector<512xf32>
      %broadcast_in_dim3A_63 = vector.shape_cast %reduce_sum3A_62 : vector<512xf32> to vector<512x1xf32>
      %max3A_64 = arith.constant 1.000000e+00 : f32
      %max3A_65 = vector.broadcast %max3A_64 : f32 to vector<512x1xf32>
      %max3A_66 = arith.maximumf %broadcast_in_dim3A_63, %max3A_65 : vector<512x1xf32>
      %div3A = arith.constant 1.000000e+00 : f32
      %div3A_67 = vector.broadcast %div3A : f32 to vector<512x1xf32>
      %div3A_68 = arith.divf %div3A_67, %max3A_66 : vector<512x1xf32>
      %get3A_69 = arith.constant 0 : index
      %get3A_70 = arith.constant 0 : index
      %get3A_71 = vector.load %arg4[%get3A_69, %get3A_70] : memref<512x256xf32, #tpu.memory_space<vmem>>, vector<512x256xf32>
      %mul3A = vector.broadcast %div3A_68 : vector<512x1xf32> to vector<512x256xf32>
      %mul3A_72 = arith.mulf %get3A_71, %mul3A : vector<512x256xf32>
      %convert_element_type3A_73 = arith.truncf %mul3A_72 : vector<512x256xf32> to vector<512x256xbf16>
      %get3A_74 = arith.constant 0 : index
      %get3A_75 = arith.constant 0 : index
      %get3A_76 = vector.load %arg7[%get3A_74, %get3A_75] : memref<256x256xbf16, #tpu.memory_space<vmem>>, vector<256x256xbf16>
      %dot_general3A_77 = arith.constant dense<0.000000e+00> : vector<512x256xf32>
      %dot_general3A_78 = tpu.matmul %convert_element_type3A_73, %get3A_76, %dot_general3A_77 {dimension_numbers = #tpu.dot_dimension_numbers<[1], [0], [0], [1], [0, 0, 1, 1], [], []>, transpose_lhs_hint = false} : vector<512x256xbf16>, vector<256x256xbf16>, vector<512x256xf32> -> vector<512x256xf32>
      %get3A_79 = arith.constant 0 : index
      %get3A_80 = arith.constant 0 : index
      %get3A_81 = vector.load %arg8[%get3A_79, %get3A_80] : memref<1x256xf32, #tpu.memory_space<vmem>>, vector<1x256xf32>
      %add3A_82 = vector.broadcast %get3A_81 : vector<1x256xf32> to vector<512x256xf32>
      %add3A_83 = arith.addf %dot_general3A_78, %add3A_82 : vector<512x256xf32>
      %convert_element_type3A_84 = arith.truncf %add3A_83 : vector<512x256xf32> to vector<512x256xbf16>
      %swap3A_85 = arith.constant 0 : index
      %swap3A_86 = arith.constant 0 : index
      %swap3A_87 = vector.load %arg13[%swap3A_85, %swap3A_86] : memref<512x256xbf16, #tpu.memory_space<vmem>>, vector<512x256xbf16>
      tpu.vector_store %arg13[%swap3A_85, %swap3A_86], %convert_element_type3A_84 {strides = array<i32>} : memref<512x256xbf16, #tpu.memory_space<vmem>>, vector<512x256xbf16>,
    } else {
    }
    %get3A = arith.constant 0 : index
    %get3A_2 = arith.constant 0 : index
    %get3A_3 = arith.constant 0 : index
    %get3A_4 = vector.load %arg2[%get3A, %get3A_2, %get3A_3] : memref<1x1x4096xi32, #tpu.memory_space<vmem>>, vector<1x1x4096xi32>
    %get3A_5 = vector.shape_cast %get3A_4 : vector<1x1x4096xi32> to vector<4096xi32>
    %broadcast_in_dim3A = vector.shape_cast %get3A_5 : vector<4096xi32> to vector<4096x1xi32>
    %iota3A = tpu.iota {dimensions = array<i32: 1>} : vector<1x512xi32>
    %eq3A_6 = vector.broadcast %broadcast_in_dim3A : vector<4096x1xi32> to vector<4096x512xi32>
    %eq3A_7 = vector.broadcast %iota3A : vector<1x512xi32> to vector<4096x512xi32>
    %eq3A_8 = arith.cmpi eq, %eq3A_6, %eq3A_7 : vector<4096x512xi32>
    %convert_element_type3A_9 = arith.extui %eq3A_8 : vector<4096x512xi1> to vector<4096x512xi32>
    %convert_element_type3A_10 = arith.sitofp %convert_element_type3A_9 : vector<4096x512xi32> to vector<4096x512xf32>
    %convert_element_type3A_11 = arith.truncf %convert_element_type3A_10 : vector<4096x512xf32> to vector<4096x512xbf16>
    %get3A_12 = arith.constant 0 : index
    %get3A_13 = arith.constant 0 : index
    %get3A_14 = vector.load %arg1[%get3A_12, %get3A_13] : memref<4096x256xbf16, #tpu.memory_space<vmem>>, vector<4096x256xbf16>
    %get3A_15 = arith.constant 0 : index
    %get3A_16 = arith.constant 0 : index
    %get3A_17 = vector.load %arg7[%get3A_15, %get3A_16] : memref<256x256xbf16, #tpu.memory_space<vmem>>, vector<256x256xbf16>
    %dot_general3A = arith.constant dense<0.000000e+00> : vector<4096x256xf32>
    %dot_general3A_18 = tpu.matmul %get3A_14, %get3A_17, %dot_general3A {dimension_numbers = #tpu.dot_dimension_numbers<[1], [0], [0], [1], [0, 0, 1, 1], [], []>, transpose_lhs_hint = false} : vector<4096x256xbf16>, vector<256x256xbf16>, vector<4096x256xf32> -> vector<4096x256xf32>
    %get3A_19 = arith.constant 0 : index
    %get3A_20 = arith.constant 0 : index
    %get3A_21 = vector.load %arg13[%get3A_19, %get3A_20] : memref<512x256xbf16, #tpu.memory_space<vmem>>, vector<512x256xbf16>
    %dot_general3A_22 = arith.constant dense<0.000000e+00> : vector<4096x256xf32>
    %dot_general3A_23 = tpu.matmul %convert_element_type3A_11, %get3A_21, %dot_general3A_22 {dimension_numbers = #tpu.dot_dimension_numbers<[1], [0], [0], [1], [0, 0, 1, 1], [], []>, transpose_lhs_hint = false} : vector<4096x512xbf16>, vector<512x256xbf16>, vector<4096x256xf32> -> vector<4096x256xf32>
    %add3A = arith.addf %dot_general3A_18, %dot_general3A_23 : vector<4096x256xf32>
    %max3A = arith.constant 0.000000e+00 : f32
    %max3A_24 = vector.broadcast %max3A : f32 to vector<4096x256xf32>
    %max3A_25 = arith.maximumf %add3A, %max3A_24 : vector<4096x256xf32>
    %convert_element_type3A_26 = arith.truncf %max3A_25 : vector<4096x256xf32> to vector<4096x256xbf16>
    %get3A_27 = arith.constant 0 : index
    %get3A_28 = arith.constant 0 : index
    %get3A_29 = vector.load %arg9[%get3A_27, %get3A_28] : memref<256x256xbf16, #tpu.memory_space<vmem>>, vector<256x256xbf16>
    %dot_general3A_30 = arith.constant dense<0.000000e+00> : vector<4096x256xf32>
    %dot_general3A_31 = tpu.matmul %convert_element_type3A_26, %get3A_29, %dot_general3A_30 {dimension_numbers = #tpu.dot_dimension_numbers<[1], [0], [0], [1], [0, 0, 1, 1], [], []>, transpose_lhs_hint = false} : vector<4096x256xbf16>, vector<256x256xbf16>, vector<4096x256xf32> -> vector<4096x256xf32>
    %get3A_32 = arith.constant 0 : index
    %get3A_33 = arith.constant 0 : index
    %get3A_34 = vector.load %arg10[%get3A_32, %get3A_33] : memref<1x256xf32, #tpu.memory_space<vmem>>, vector<1x256xf32>
    %add3A_35 = vector.broadcast %get3A_34 : vector<1x256xf32> to vector<4096x256xf32>
    %add3A_36 = arith.addf %dot_general3A_31, %add3A_35 : vector<4096x256xf32>
    %convert_element_type3A_37 = arith.truncf %add3A_36 : vector<4096x256xf32> to vector<4096x256xbf16>
    %swap3A = arith.constant 0 : index
    %swap3A_38 = arith.constant 0 : index
    %swap3A_39 = vector.load %arg11[%swap3A, %swap3A_38] : memref<4096x256xf32, #tpu.memory_space<vmem>>, vector<4096x256xf32>
    tpu.vector_store %arg11[%swap3A, %swap3A_38], %add3A_36 {strides = array<i32>} : memref<4096x256xf32, #tpu.memory_space<vmem>>, vector<4096x256xf32>,
    %iota3A_40 = tpu.iota {dimensions = array<i32: 0>} : vector<512x1xi32>
    %broadcast_in_dim3A_41 = vector.shape_cast %get3A_5 : vector<4096xi32> to vector<1x4096xi32>
    %eq3A_42 = vector.broadcast %iota3A_40 : vector<512x1xi32> to vector<512x4096xi32>
    %eq3A_43 = vector.broadcast %broadcast_in_dim3A_41 : vector<1x4096xi32> to vector<512x4096xi32>
    %eq3A_44 = arith.cmpi eq, %eq3A_42, %eq3A_43 : vector<512x4096xi32>
    %convert_element_type3A_45 = arith.extui %eq3A_44 : vector<512x4096xi1> to vector<512x4096xi32>
    %convert_element_type3A_46 = arith.sitofp %convert_element_type3A_45 : vector<512x4096xi32> to vector<512x4096xf32>
    %convert_element_type3A_47 = arith.truncf %convert_element_type3A_46 : vector<512x4096xf32> to vector<512x4096xbf16>
    %dot_general3A_48 = arith.constant dense<0.000000e+00> : vector<512x256xf32>
    %dot_general3A_49 = tpu.matmul %convert_element_type3A_47, %convert_element_type3A_37, %dot_general3A_48 {dimension_numbers = #tpu.dot_dimension_numbers<[1], [0], [0], [1], [0, 0, 1, 1], [], []>, transpose_lhs_hint = false} : vector<512x4096xbf16>, vector<4096x256xbf16>, vector<512x256xf32> -> vector<512x256xf32>
    %eq3A_50 = arith.constant 0 : i32
    %eq3A_51 = arith.cmpi eq, %arg0, %eq3A_50 : i32
    %convert_element_type3A_52 = arith.extui %eq3A_51 : i1 to i32
    %cond3A_53 = arith.constant 0 : i32
    %cond3A_54 = arith.cmpi ne, %convert_element_type3A_52, %cond3A_53 : i32
    scf.if %cond3A_54 {
      %swap3A_59 = arith.constant 0 : index
      %swap3A_60 = arith.constant 0 : index
      %swap3A_61 = vector.load %arg12[%swap3A_59, %swap3A_60] : memref<512x256xf32, #tpu.memory_space<vmem>>, vector<512x256xf32>
      tpu.vector_store %arg12[%swap3A_59, %swap3A_60], %dot_general3A_49 {strides = array<i32>} : memref<512x256xf32, #tpu.memory_space<vmem>>, vector<512x256xf32>,
    } else {
    }
    %ne3A = arith.constant 0 : i32
    %ne3A_55 = arith.cmpi ne, %arg0, %ne3A : i32
    %convert_element_type3A_56 = arith.extui %ne3A_55 : i1 to i32
    %cond3A_57 = arith.constant 0 : i32
    %cond3A_58 = arith.cmpi ne, %convert_element_type3A_56, %cond3A_57 : i32
    scf.if %cond3A_58 {
      %get3A_59 = arith.constant 0 : index
      %get3A_60 = arith.constant 0 : index
      %get3A_61 = vector.load %arg12[%get3A_59, %get3A_60] : memref<512x256xf32, #tpu.memory_space<vmem>>, vector<512x256xf32>
      %add3A_62 = arith.addf %get3A_61, %dot_general3A_49 : vector<512x256xf32>
      %swap3A_63 = arith.constant 0 : index
      %swap3A_64 = arith.constant 0 : index
      %swap3A_65 = vector.load %arg12[%swap3A_63, %swap3A_64] : memref<512x256xf32, #tpu.memory_space<vmem>>, vector<512x256xf32>
      tpu.vector_store %arg12[%swap3A_63, %swap3A_64], %add3A_62 {strides = array<i32>} : memref<512x256xf32, #tpu.memory_space<vmem>>, vector<512x256xf32>,
    } else {
    }
    return
  }
  func.func @transform_0(%arg0: i32) -> (i32, i32) {
    %c0_i32 = arith.constant 0 : i32
    %c0_i32_0 = arith.constant 0 : i32
    return %arg0, %c0_i32 : i32, i32
  }
  func.func @transform_1(%arg0: i32) -> (i32, i32, i32) {
    %c0_i32 = arith.constant 0 : i32
    %c0_i32_0 = arith.constant 0 : i32
    %c0_i32_1 = arith.constant 0 : i32
    return %arg0, %c0_i32, %c0_i32_0 : i32, i32, i32
  }
  func.func @transform_2(%arg0: i32) -> (i32, i32) {
    %c0_i32 = arith.constant 0 : i32
    %c0_i32_0 = arith.constant 0 : i32
    %c0_i32_1 = arith.constant 0 : i32
    return %c0_i32, %c0_i32_0 : i32, i32
  }
  func.func @transform_3(%arg0: i32) -> (i32, i32) {
    %c0_i32 = arith.constant 0 : i32
    %c0_i32_0 = arith.constant 0 : i32
    %c0_i32_1 = arith.constant 0 : i32
    return %c0_i32, %c0_i32_0 : i32, i32
  }
  func.func @transform_4(%arg0: i32) -> (i32, i32) {
    %c0_i32 = arith.constant 0 : i32
    %c0_i32_0 = arith.constant 0 : i32
    %c0_i32_1 = arith.constant 0 : i32
    return %c0_i32, %c0_i32_0 : i32, i32
  }
  func.func @transform_5(%arg0: i32) -> (i32, i32) {
    %c0_i32 = arith.constant 0 : i32
    %c0_i32_0 = arith.constant 0 : i32
    %c0_i32_1 = arith.constant 0 : i32
    return %c0_i32, %c0_i32_0 : i32, i32
  }
  func.func @transform_6(%arg0: i32) -> (i32, i32) {
    %c0_i32 = arith.constant 0 : i32
    %c0_i32_0 = arith.constant 0 : i32
    %c0_i32_1 = arith.constant 0 : i32
    return %c0_i32, %c0_i32_0 : i32, i32
  }
  func.func @transform_7(%arg0: i32) -> (i32, i32) {
    %c0_i32 = arith.constant 0 : i32
    %c0_i32_0 = arith.constant 0 : i32
    %c0_i32_1 = arith.constant 0 : i32
    return %c0_i32, %c0_i32_0 : i32, i32
  }
  func.func @transform_8(%arg0: i32) -> (i32, i32) {
    %c0_i32 = arith.constant 0 : i32
    %c0_i32_0 = arith.constant 0 : i32
    %c0_i32_1 = arith.constant 0 : i32
    return %c0_i32, %c0_i32_0 : i32, i32
  }
  func.func @transform_9(%arg0: i32) -> (i32, i32) {
    %c0_i32 = arith.constant 0 : i32
    %c0_i32_0 = arith.constant 0 : i32
    %c0_i32_1 = arith.constant 0 : i32
    return %c0_i32, %c0_i32_0 : i32, i32
  }
  func.func @transform_10(%arg0: i32) -> (i32, i32) {
    %c0_i32 = arith.constant 0 : i32
    %c0_i32_0 = arith.constant 0 : i32
    return %arg0, %c0_i32 : i32, i32
  }
  func.func @transform_11(%arg0: i32) -> (i32, i32) {
    %c0_i32 = arith.constant 0 : i32
    %c0_i32_0 = arith.constant 0 : i32
    %c0_i32_1 = arith.constant 0 : i32
    return %c0_i32, %c0_i32_0 : i32, i32
  }
}

</mosaic_0001>

<sc_bundles>
// kernel: kernel.7.cloned.1.call-start
scs
__scs_entry_jumppad:
0x0: {  	(pc) =	sbr.rel $0x88, $3  }
0x1: {  	(tag) =	ssettag $0x0;
	lr =	simm.s32 $0x1  }
0x2: {  	[smem:$0x3F92] =	sst lr;
	_ =	strace $0xD0000000  }
0x3: {  	_ = 	snop  }
0x4: {  	_ = 	snop  }
0x5: {  	_ = 	snop  }
0x6: {  	_ = 	snop  }
0x7: {  	_ = 	snop  }
__scs_overlays_trampoline_lowered:
0x8: {  	[smem:$0x3FA1] =	sst s0  }
0x9: {  	[smem:$0x3FA2] =	sst s1  }
0xa: {  	[smem:$0x3FA3] =	sst s2  }
0xb: {  	[smem:$0x3FA4] =	sst s3  }
0xc: {  	[smem:$0x3FA5] =	sst s4  }
0xd: {  	[smem:$0x3FA6] =	sst s5  }
0xe: {  	[smem:$0x3FA7] =	sst s6  }
0xf: {  	[smem:$0x3FA8] =	sst s7  }
0x10: {  	[smem:$0x3FA9] =	sst s8  }
0x11: {  	[smem:$0x3FAA] =	sst s9;
	s0 =	simm.s32 @!p0 $0x0  }
0x12: {  	s1 =	sld [smem:$0x3F90];
	s0 =	simm.s32 @p0 $0x1  }
0x13: {  	[smem:$0x3FAB] =	sst s0;
	s0 =	simm.s32 @!p1 $0x0  }
0x14: {  	s2 =	sld [smem:$0x3F8F];
	s0 =	simm.s32 @p1 $0x1  }
0x15: {  	[smem:$0x3FAC] =	sst s0;
	s0 =	simm.s32 @!p2 $0x0  }
0x16: {  	s3 =	sld [smem:$0x3FDB];
	s0 =	simm.s32 @p2 $0x1  }
0x17: {  	s4 =	simm.s32 $0x1BF5;
	[smem:$0x3FAE] =	sst s0  }
0x18: {  	s0 =	sld [smem:$0x3F91];
	_ =	swait.ge [sflag:s4], $0x0  }
0x19: {  	s7 =	sld [smem:$0x3F92]  }
0x1a: {  	s8 =	sadd.s32 $0xFFFFE003, lr  }
0x1b: {  	s9 =	sadd.s32 $0xFFFFFEF7, lr;
	s5 =	simm.s32 $0xFFFFFFFF;
	p2 =	slt.u32 s8, $0xFFFFF086  }
0x1c: {  	p1 =	slt.u32 s9, $0xF7A;
	s5 =	simm.s32 @!p2 $0x0  }
0x1d: {  	s5 =	simm.s32 @p1 $0x1;
	p0 =	seq.s32 s7, s2  }
0x1e: {  	s7 =	smul.u32 @!p0 $0xF7A, s2;
	p2 =	seq.s32 @!p0 s5, $0x0  }
0x1f: {  	s9 =	smul.u32 $0xF7A, s1;
	s8 =	simm.s32 @!p0 $0x1BF5;
	p2 =	por !p2, p0  }
0x20: {  	[sflag:s8] =	ssyncset.s32 @!p0 $0xFFFFF086;
	s6 =	sadd.s32 @!p0 s3, s7;
	s7 =	simm.s32 @!p0 $0x108  }
0x21: {  	s3 =	sadd.s32 s3, s9;
	s6 =	sadd.s32 @!p0 $0x88, s6;
	s7 =	simm.s32 @p2 $0x1082  }
0x22: {  	[simem:s7], [sflag:s8] =	dma.local @!p0 [hbm:s6], $0xF7A  }
0x23: {  	s9 =	sor.u32 $0xD0000000, s2;
	s6 =	simm.s32 $0x108;
	_ =	swait.ge @!p0 [sflag:s8], $0x0  }
0x24: {  	s3 =	sadd.s32 $0x88, s3;
	s6 =	simm.s32 @!p1 $0x1082;
	[sflag:s4] =	ssyncset.s32 $0xFFFFF086  }
0x25: {  	[simem:s6], [sflag:s4] =	dma.local [hbm:s3], $0xF7A  }
0x26: {  	[smem:$0x3F92] =	sst s1;
	(tag) =	ssettag s2;
	_ =	strace s9  }
0x27: {  	s1 =	sld [smem:$0x3FA2]  }
0x28: {  	s2 =	sld [smem:$0x3FA3]  }
0x29: {  	s4 =	sld [smem:$0x3FA5]  }
0x2a: {  	p0 =	seq.s32 s5, $0x0;
	s5 =	sld [smem:$0x3FA6]  }
0x2b: {  	s6 =	sld [smem:$0x3FA7]  }
0x2c: {  	s7 =	sld [smem:$0x3FA8]  }
0x2d: {  	s3 =	simm.s32 $0x108;
	s8 =	sld [smem:$0x3FA9]  }
0x2e: {  	s3 =	simm.s32 @!p0 $0x1082;
	s9 =	sld [smem:$0x3FAA]  }
0x2f: {  	lr =	sadd.s32 s0, s3;
	s0 =	sld [smem:$0x3FA1]  }
0x30: {  	s3 =	sld [smem:$0x3FA4]  }
0x31: {  	[smem:$0x3FAD] =	sst s10  }
0x32: {  	s10 =	sld [smem:$0x3FAB];
	_ =	sdelay $0x3  }
0x33: {  	p0 =	seq.s32 s10, $0x1;
	s10 =	sld [smem:$0x3FAD];
	_ =	sdelay $0x3  }
0x34: {  	[smem:$0x3FAD] =	sst s10  }
0x35: {  	s10 =	sld [smem:$0x3FAC];
	_ =	sdelay $0x3  }
0x36: {  	p1 =	seq.s32 s10, $0x1;
	s10 =	sld [smem:$0x3FAD];
	_ =	sdelay $0x3  }
0x37: {  	[smem:$0x3FAD] =	sst s10  }
0x38: {  	s10 =	sld [smem:$0x3FAE]  }
0x39: {  	_ = 	snop;
	(pc) =	sbr.ind lr, $3  }
0x3a: {  	_ = 	snop  }
0x3b: {  	_ = 	snop  }
0x3c: {  	p2 =	seq.s32 s10, $0x1;
	s10 =	sld [smem:$0x3FAD]  }
0x3d: {  	_ =	shalt  }
0x3e: {  	_ =	shalt  }
0x3f: {  	_ =	shalt  }
0x40: {  	_ =	shalt  }
0x41: {  	_ =	shalt  }
0x42: {  	_ =	shalt  }
0x43: {  	_ =	shalt  }
0x44: {  	_ =	shalt  }
0x45: {  	_ =	shalt  }
0x46: {  	_ =	shalt  }
0x47: {  	_ =	shalt  }
0x48: {  	_ =	shalt  }
0x49: {  	_ =	shalt  }
0x4a: {  	_ =	shalt  }
0x4b: {  	_ =	shalt  }
0x4c: {  	_ =	shalt  }
0x4d: {  	_ =	shalt  }
0x4e: {  	_ =	shalt  }
0x4f: {  	_ =	shalt  }
0x50: {  	_ =	shalt  }
0x51: {  	_ =	shalt  }
0x52: {  	_ =	shalt  }
0x53: {  	_ =	shalt  }
0x54: {  	_ =	shalt  }
0x55: {  	_ =	shalt  }
0x56: {  	_ =	shalt  }
0x57: {  	_ =	shalt  }
0x58: {  	_ =	shalt  }
0x59: {  	_ =	shalt  }
0x5a: {  	_ =	shalt  }
0x5b: {  	_ =	shalt  }
0x5c: {  	_ =	shalt  }
0x5d: {  	_ =	shalt  }
0x5e: {  	_ =	shalt  }
0x5f: {  	_ =	shalt  }
0x60: {  	_ =	shalt  }
0x61: {  	_ =	shalt  }
0x62: {  	_ =	shalt  }
0x63: {  	_ =	shalt  }
0x64: {  	_ =	shalt  }
0x65: {  	_ =	shalt  }
0x66: {  	_ =	shalt  }
0x67: {  	_ =	shalt  }
0x68: {  	_ =	shalt  }
0x69: {  	_ =	shalt  }
0x6a: {  	_ =	shalt  }
0x6b: {  	_ =	shalt  }
0x6c: {  	_ =	shalt  }
0x6d: {  	_ =	shalt  }
0x6e: {  	_ =	shalt  }
0x6f: {  	_ =	shalt  }
0x70: {  	_ =	shalt  }
0x71: {  	_ =	shalt  }
0x72: {  	_ =	shalt  }
0x73: {  	_ =	shalt  }
0x74: {  	_ =	shalt  }
0x75: {  	_ =	shalt  }
0x76: {  	_ =	shalt  }
0x77: {  	_ =	shalt  }
0x78: {  	_ =	shalt  }
0x79: {  	_ =	shalt  }
0x7a: {  	_ =	shalt  }
0x7b: {  	_ =	shalt  }
0x7c: {  	_ =	shalt  }
0x7d: {  	_ =	shalt  }
0x7e: {  	_ =	shalt  }
0x7f: {  	_ =	shalt  }
0x80: {  	_ =	shalt  }
0x81: {  	_ =	shalt  }
0x82: {  	_ =	shalt  }
0x83: {  	_ =	shalt  }
0x84: {  	_ =	shalt  }
0x85: {  	_ =	shalt  }
0x86: {  	_ =	shalt  }
0x87: {  	_ =	shalt  }
.Lfunc_end0:
.L_simem_size_0:
called_computation_lowered:
.L_overlay_start_0:
0x88: {  	s2 =	sld [smem:$0x3FD9]  }
0x89: {  	s3 =	sld [smem:$0x3FFE];
	_ =	sdelay $0x1  }
0x8a: {  	s1 =	srdreg.scid  }
0x8b: {  	s0 =	sand.u32 $0x1, s1  }
0x8c: {  	s14 =	sshll.u32 s0, $0xA;
	s2 =	sadd.s32 s3, s2  }
0x8d: {  	s2 =	sadd.s32 s2, s14  }
0x8e: {  	[smem:$0x3FB9] =	sst s2  }
0x8f: {  	_ = 	snop  }
0x90: {  	s2 =	sld [smem:$0x3FD0];
	_ =	sdelay $0x2  }
0x91: {  	s15 =	simm.s32 $0xA;
	s4 =	simm.s32 $0x10  }
0x92: {  	[smem:s4], [sflag:s15] =	dma.local [hbm:s2], $0x1  }
0x93: {  	_ =	swait.eq [sflag:s15], $0x1  }
0x94: {  	[sflag:s15] =	ssyncset.done $0x0  }
0x95: {  	s16 =	sld [smem:$0x10];
	[sflag:s15] =	ssyncadd.s32 $0xFFFFFFFF  }
0x96: {  	s17 =	sld [smem:$0x11];
	(tm) =	ssettm $0x1  }
0x97: {  	s18 =	sld [smem:$0x3FFB];
	_ =	sdelay $0x3  }
0x98: {  	_ =	strace s18  }
0x99: {  	s4 =	sld [smem:$0x3FFC];
	_ =	sdelay $0x3  }
0x9a: {  	_ =	strace s4  }
0x9b: {  	s4 =	sld [smem:$0x3FFD];
	_ =	sdelay $0x3  }
0x9c: {  	_ =	strace s4  }
0x9d: {  	_ =	strace $0x8FFFFFFF  }
0x9e: {  	s19 =	sld [smem:$0x3FDB];
	_ =	sdelay $0x1  }
0x9f: {  	s5 =	simm.s32 $_scs_section_size  }
0xa0: {  	s6 =	simm.s32 $_size__tile_overlayer_lowered;
	s7 =	simm.s32 $_tile_overlayer_lowered  }
0xa1: {  	s22 =	simm.s32 $0x1BFF;
	s21 =	sshll.u32 s7, $0x1;
	s4 =	sadd.s32 s5, s19  }
0xa2: {  	s8 =	simm.s32 $0x0;
	s20 =	sshll.u32 s6, $0x1;
	s6 =	sadd.s32 s21, s4  }
0xa3: {  	[timem:s8], [sflag:s22] =	dma.local [hbm:s6], s20  }
0xa4: {  	_ =	swait.ge [sflag:s22], s20  }
0xa5: {  	s5 =	ssub.s32 $0x0, s20;
	[sflag:s22] =	ssyncset.done $0x0  }
0xa6: {  	[sflag:s22] =	ssyncadd.s32 s5;
	_ =	sdelay $0x1  }
0xa7: {  	s23 =	simm.s32 $0x1B8B  }
0xa8: {  	_ =	swait.ge [sflag:s23], $0x1  }
0xa9: {  	[sflag:s23] =	ssyncset.done $0x0  }
0xaa: {  	s25 =	simm.s32 $0x1B8E;
	s24 =	sld [smem:$0x3FFE];
	[sflag:s23] =	ssyncadd.s32 $0xFFFFFFFF  }
0xab: {  	s26 =	simm.s32 $execute0_lowered;
	[smem:$0x3FD2] =	sst s25  }
0xac: {  	s6 =	sshll.u32 s26, $0x1;
	_ =	strace $0x80000046;
	[dreg:$0x1] =	wrdreg $0xFFFFFFFF  }
0xad: {  	s28 =	simm.s32 $_size_execute0_lowered;
	s4 =	sadd.s32 s4, s6;
	[dreg:$0x0] =	wrdreg $0x0  }
0xae: {  	s6 =	sshll.u32 s28, $0x1;
	[dreg:$0x2] =	wrdreg s4  }
0xaf: {  	[dreg:$0x3] =	wrdreg s6  }
0xb0: {  	[dreg:$0x4] =	wrdreg $0xC0  }
0xb1: {  	_ =	task [dreg:s8], $0x5FFFF  }
0xb2: {  	[dreg:$0x1] =	wrdreg $0xFFFFFFFF  }
0xb3: {  	[dreg:$0x0] =	wrdreg $0x60  }
0xb4: {  	[dreg:$0x2] =	wrdreg s16  }
0xb5: {  	[dreg:$0x3] =	wrdreg s24  }
0xb6: {  	[dreg:$0x4] =	wrdreg s17  }
0xb7: {  	[dreg:$0x5] =	wrdreg $0x9  }
0xb8: {  	_ =	task.clear_ibuf [dreg:s8], $0x6FFFF;
	_ =	strace $0x90000046  }
0xb9: {  	s29 =	simm.s32 $0x9;
	_ =	strace $0x80000048  }
0xba: {  	_ =	swait.ge [sflag:s29], $0x1  }
0xbb: {  	[sflag:s29] =	ssyncadd.s32 $0xFFFFFFFF  }
0xbc: {  	_ =	strace $0x90000048  }
0xbd: {  	_ =	sfence  }
0xbe: {  	s30 =	sld [smem:$0x0];
	_ =	sdelay $0x2  }
0xbf: {  	s31 =	sshll.u32 s1, $0xD;
	s1 =	sshrl.u32 s1, $0x2  }
0xc0: {  	s3 =	sand.u32 $0x4000, s31;
	s1 =	sadd.s32 s1, s30  }
0xc1: {  	s0 =	sor.u32 s3, s0;
	s1 =	sshll.u32 s1, $0x11  }
0xc2: {  	s0 =	sor.u32 s1, s0  }
0xc3: {  	s0 =	sadd.s32 $0x8F2B, s0  }
0xc4: {  	[sflag:s0] =	ssyncadd.remote.s32 $0x1  }
0xc5: {  	_ =	sfence.sel $0xFFFF  }
0xc6: {  	[dreg:$0x0] =	wrdreg $0xFFFFFFFF;
	(pc) =	sbr.abs _section_cstart, $3  }
0xc7: {  	[dreg:$0x1] =	wrdreg $0xFFFFFFFF  }
0xc8: {  	_ =	task.clear_ibuf [dreg:s8], $0x2FFFF;
	_ =	strace $0x9FFFFFFF  }
0xc9: {  	(tm) =	ssettm $0x7FFFFFFF  }
tec
execute0_lowered:
.L_overlay_start_1:
0x0: {  	(tag) =	ssettag $0x1  }
0x1: {  	s4 =	rddreg [dreg:$0x0]  }
0x2: {  	s1 =	srdreg.scid;
	s3 =	rddreg [dreg:$0x1]  }
0x3: {  	s0 =	stileid.u32;
	s6 =	rddreg [dreg:$0x2];
	s2 =	simm.s32 $0x0  }
0x4: {  	s11 =	simm.s32 $0x0;
	s5 =	sand.u32 $0x1, s1;
	s31 =	sshll.u32 s0, $0x1  }
0x5: {  	s1 =	rddreg [dreg:$0x3];
	s7 =	sor.u32 s5, s31;
	s5 =	ssub.s32 $0x2, s5  }
0x6: {  	[smem:$0x7FF] =	sst s2;
	s8 =	smul.u32 $0x190, s7;
	s10 =	sshrl.u32 s5, $0x1  }
0x7: {  	_ =	strace $0x80000047;
	s7 =	smul.u32 $0x2400, s7;
	s10 =	ssub.s32 s5, s10  }
0x8: {  	s9 =	sadd.s32 s8, s3;
	s3 =	sadd.s32 $0x4C00, s3;
	s4 =	sadd.s32 s4, s8  }
0x9: {  	s6 =	sadd.s32 s6, s7;
	s7 =	smax.u32 s10, $0x1;
	s8 =	simm.s32 $0x1  }
0xa: {  	v0 =	vimm.f32 $1.000000000e+00;
	s10 =	simm.s32 $0x1900;
	s5 =	sadd.s32 $0x1A00, s9;
	s9 =	simm.s32 $0xC80  }
.LBB2_1:
0xb: {  	[tilespmem:s2], [sflag:$0x1] =	stream.linear.gather [hbm4b:s4+s2], $0xC80, $0x38;
	[tilespmem:$0x13900] =	vst v63  }
0xc: {  	_ =	swait.ge [sflag:s8], $0xC80  }
0xd: {  	[sflag:s8] =	ssyncset.done $0x0  }
0xe: {  	[sflag:s8] =	ssyncadd.s32 $0xFFFFF380  }
0xf: {  	[tilespmem:s9], [sflag:$0x1] =	stream.linear.gather [hbm4b:s5+s2], $0xC80, $0x38;
	[tilespmem:$0x13900] =	vst v63  }
0x10: {  	_ =	swait.ge [sflag:s8], $0xC80  }
0x11: {  	[sflag:s8] =	ssyncset.done $0x0  }
0x12: {  	[sflag:s8] =	ssyncadd.s32 $0xFFFFF380  }
0x13: {  	[tilespmem:s10], [sflag:$0x1] =	stream.linear.gather [hbm4b:s3+s2], $0x12000, $0x38;
	[tilespmem:$0x13900] =	vst v63  }
0x14: {  	_ =	swait.ge [sflag:s8], $0x12000  }
0x15: {  	[sflag:s8] =	ssyncset.done $0x0  }
0x16: {  	s13 =	simm.s32 $0x0;
	s12 =	simm.s32 $0x40;
	[sflag:s8] =	ssyncadd.s32 $0xFFFEE000  }
.LBB2_2:
0x17: {  	p0 =	sne.s32 s12, $0x31C0;
	v1 =	vld [tilespmem:s13+$0xC80];
	_ =	sdelay $0x1  }
0x18: {  	v2 =	vld [tilespmem:s13+$0x0];
	_ =	sdelay $0x2  }
0x19: {  	v3 =	vmul.u32 $0x90, v1  }
0x1a: {  	vm0 =	vlt.s32 v1, $0x200  }
0x1b: {  	v1 =	vadd.s32 v2, v3  }
.Ltmp0:
0x1c: {  	(pc) =	sbr.rel @p0 .LBB2_2-.Ltmp0, $2  }
0x1d: {  	_ =	sdelay $0x2  }
0x1e: {  	s13 =	sshra.s32 s12, $0x2;
	s12 =	sadd.s32 $0x40, s12;
	[tilespmem:v1+s10+$0x0] =	vst.idx.add.f32.msk vm0, v0  }
0x1f: {  	v1 =	vld [tilespmem:s13+$0xC80];
	_ =	sdelay $0x1  }
0x20: {  	v2 =	vld [tilespmem:s13+$0x0];
	_ =	sdelay $0x2  }
0x21: {  	v3 =	vmul.u32 $0x90, v1  }
0x22: {  	vm0 =	vlt.s32 v1, $0x200  }
0x23: {  	v1 =	vadd.s32 v2, v3;
	_ =	sdelay $0x2  }
0x24: {  	s11 =	sadd.s32 $0x1, s11  }
0x25: {  	p0 =	sne.s32 s11, s7  }
.Ltmp1:
0x26: {  	[tilespmem:v1+s10+$0x0] =	vst.idx.add.f32.msk vm0, v0;
	(pc) =	sbr.rel @p0 .LBB2_1-.Ltmp1, $4  }
0x27: {  	[hbm4b:s6+s2] =	stream.linear.scatter [tilespmem:s10], [sflag:$0x1], $0x12000, $0x38;
	[tilespmem:$0x13900] =	vst v63  }
0x28: {  	_ =	swait.ge [sflag:s8], $0x12000  }
0x29: {  	[sflag:s8] =	ssyncset.done $0x0  }
0x2a: {  	[sflag:s8] =	ssyncadd.s32 $0xFFFEE000  }
0x2b: {  	_ =	sfence.sel $0x180000  }
0x2c: {  	[bflag:$0x0] =	sbarrier.arrive $0xFFFF  }
0x2d: {  	p0 =	sne.s32 s0, $0x0;
	_ =	strace $0x90000047  }
0x2e: {  	s0 =	sadd.s32 @!p0 $0x100000, s1;
	[bflag:$0x2] =	sbarrier.arrive $0xFFFF  }
0x2f: {  	[sflag:s0] =	ssyncadd.tile.s32 @!p0 $0x1;
	_ =	shalt  }
.Lfunc_end2:
_tile_overlayer_lowered:
.L_overlay_start_2:
0x30: {  	(tag) =	ssettag $0x2  }
0x31: {  	s0 =	rddreg [dreg:$0x0];
	s2 =	stileid.u32  }
0x32: {  	s1 =	rddreg [dreg:$0x1];
	p0 =	sne.s32 s2, $0x0  }
0x33: {  	s3 =	rddreg [dreg:$0x2];
	[bflag:$0x3] =	sbarrier.arrive $0xFFFF;
	s2 =	simm.s32 @!p0 $0x1C01  }
0x34: {  	[timem:s3], [sflag:s2] =	dma.local @!p0 [hbm:s0], s1  }
0x35: {  	s0 =	simm.s32 @!p0 $0x1  }
0x36: {  	_ =	swait.ge @!p0 [sflag:s0], s1  }
0x37: {  	s1 =	ssub.s32 @!p0 $0x0, s1;
	[sflag:s0] =	ssyncset.done @!p0 $0x0  }
0x38: {  	[sflag:s0] =	ssyncadd.s32 @!p0 s1  }
0x39: {  	[bflag:$0x3] =	sbarrier.arrive $0xFFFF  }
0x3a: {  	_ =	shalt  }

</sc_bundles>
